<compile_context>
chip_gen: v7x
topology: tpu7x:2x2x1
jax: 0.10.2.dev20260603
libtpu: 0.0.44.dev20260713+nightly
codegen_flags: <defaults>
</compile_context>

<pallas_src>
import functools

import jax
import jax.numpy as jnp
from jax import lax
from jax.experimental import pallas as pl
from jax.experimental.pallas import tpu as pltpu
from jax.experimental.pallas import tpu_sc as plsc

B, S, V, E, H = 4, 2048, 32000, 1024, 1024
G4 = 4 * H
BP = 8
T = 128

NC, NS = 2, 16
NW = NC * NS
N_ROWS = S * BP
ROWS_PER_W = N_ROWS // NW
CH = 32
N_CHUNKS = ROWS_PER_W // CH


@functools.cache
def _sc_gather_fn():
    @functools.partial(
        pl.kernel,
        out_type=jax.ShapeDtypeStruct((N_ROWS, E), jnp.float32),
        mesh=plsc.VectorSubcoreMesh(core_axis_name="c", subcore_axis_name="s"),
        scratch_types=[
            pltpu.VMEM((ROWS_PER_W,), jnp.int32),
            pltpu.VMEM((CH, E), jnp.float32),
            pltpu.VMEM((CH, E), jnp.float32),
            pltpu.SemaphoreType.DMA,
            pltpu.SemaphoreType.DMA,
        ],
        compiler_params=pltpu.CompilerParams(use_tc_tiling_on_sc=True),
    )
    def _sc_gather(table_hbm, idx_hbm, out_hbm, idx_v, rows0, rows1, sem0, sem1):
        wid = lax.axis_index("s") * NC + lax.axis_index("c")
        base = wid * ROWS_PER_W
        pltpu.sync_copy(idx_hbm.at[pl.ds(base, ROWS_PER_W)], idx_v)
        bufs = (rows0, rows1)
        sems = (sem0, sem1)
        pending = pltpu.async_copy(
            table_hbm.at[idx_v.at[pl.ds(0, CH)]], rows0, sem0
        )
        for ch in range(N_CHUNKS):
            cur = pending
            if ch + 1 < N_CHUNKS:
                pending = pltpu.async_copy(
                    table_hbm.at[idx_v.at[pl.ds((ch + 1) * CH, CH)]],
                    bufs[(ch + 1) % 2],
                    sems[(ch + 1) % 2],
                )
            cur.wait()
            pltpu.sync_copy(bufs[ch % 2], out_hbm.at[pl.ds(base + ch * CH, CH)])

    return _sc_gather


def _lstm_body(x_ref, wih_ref, whh_ref, b_ref, out_ref, xw_s, h_s, c_s):
    @pl.when(pl.program_id(0) == 0)
    def _():
        h_s[...] = jnp.zeros_like(h_s)
        c_s[...] = jnp.zeros_like(c_s)

    x = x_ref[...].reshape(T * BP, E).astype(jnp.bfloat16)
    xw_s[...] = (
        jnp.dot(x, wih_ref[...], preferred_element_type=jnp.float32).reshape(
            T, BP, G4
        )
        + b_ref[...][None]
    )

    def one_step(t, h, c):
        gates = xw_s[t] + jnp.dot(
            h.astype(jnp.bfloat16),
            whh_ref[...],
            preferred_element_type=jnp.float32,
        )
        ii = 0.5 * (1.0 + jnp.tanh(0.5 * gates[:, 0:H]))
        ff = 0.5 * (1.0 + jnp.tanh(0.5 * gates[:, H:2 * H]))
        gg = jnp.tanh(gates[:, 2 * H:3 * H])
        oo = 0.5 * (1.0 + jnp.tanh(0.5 * gates[:, 3 * H:4 * H]))
        c_new = ff * c + ii * gg
        h_new = oo * jnp.tanh(c_new)
        out_ref[:, t, :] = h_new[:B, :]
        return h_new, c_new

    def step(k, carry):
        h, c = carry
        for u in range(4):
            h, c = one_step(4 * k + u, h, c)
        return (h, c)

    h, c = lax.fori_loop(0, T // 4, step, (h_s[...], c_s[...]))
    h_s[...] = h
    c_s[...] = c


def _lstm_call(xp, wih_t, whh_t, b8):
    return pl.pallas_call(
        _lstm_body,
        grid=(S // T,),
        in_specs=[
            pl.BlockSpec((T, BP, E), lambda i: (i, 0, 0)),
            pl.BlockSpec((E, G4), lambda i: (0, 0)),
            pl.BlockSpec((H, G4), lambda i: (0, 0)),
            pl.BlockSpec((BP, G4), lambda i: (0, 0)),
        ],
        out_specs=pl.BlockSpec((B, T, H), lambda i: (0, i, 0)),
        out_shape=jax.ShapeDtypeStruct((B, S, H), jnp.float32),
        scratch_shapes=[
            pltpu.VMEM((T, BP, G4), jnp.float32),
            pltpu.VMEM((BP, H), jnp.float32),
            pltpu.VMEM((BP, H), jnp.float32),
        ],
        compiler_params=pltpu.CompilerParams(
            dimension_semantics=("arbitrary",),
        ),
    )(xp, wih_t, whh_t, b8)


def kernel(tokens, embedding, W_ih, W_hh, b_ih, b_hh):
    tok_t = tokens.T.astype(jnp.int32)
    idx = jnp.concatenate([tok_t, tok_t], axis=1).reshape(N_ROWS)
    x_flat = _sc_gather_fn()(embedding, idx)
    xp = x_flat.reshape(S, BP, E)

    wih_t = W_ih.T.astype(jnp.bfloat16)
    whh_t = W_hh.T.astype(jnp.bfloat16)
    b8 = jnp.broadcast_to((b_ih + b_hh).reshape(1, G4), (BP, G4))

    return _lstm_call(xp, wih_t, whh_t, b8)

# --- scband reference (transcript-rebuilt; emitter-appended) ---
"""Pipeline reference for scband-decoder-3693671874585 (READ-ONLY COPY).

The authoritative reference and input builder live on the scoring server;
editing this copy changes nothing except your own understanding.
"""

import jax, jax.numpy as jnp
import numpy as np

B, S, V, E, H = 4, 2048, 32000, 1024, 1024

def setup_inputs(seed: int = 0) -> dict:
    key = jax.random.key(seed)
    ks = jax.random.split(key, 6)
    tokens = jax.random.randint(ks[0], (B, S), 0, V)
    embedding = jax.random.normal(ks[1], (V, E), dtype=jnp.float32) * 0.02
    W_ih = jax.random.normal(ks[2], (4 * H, E), dtype=jnp.float32) * (1.0 / np.sqrt(E))
    W_hh = jax.random.normal(ks[3], (4 * H, H), dtype=jnp.float32) * (1.0 / np.sqrt(H))
    b_ih = jax.random.normal(ks[4], (4 * H,), dtype=jnp.float32) * 0.01
    b_hh = jax.random.normal(ks[5], (4 * H,), dtype=jnp.float32) * 0.01
    return {"tokens": tokens, "embedding": embedding, "W_ih": W_ih, "W_hh": W_hh, "b_ih": b_ih, "b_hh": b_hh}


def _lstm(x, W_ih, W_hh, b_ih, b_hh):
    # PyTorch LSTM gate ordering: input, forget, cell(g), output
    Bv = x.shape[0]
    carry_dtype = jnp.result_type(x, W_ih, W_hh, b_ih, b_hh)
    h0 = jnp.zeros((Bv, H), carry_dtype)
    c0 = jnp.zeros((Bv, H), carry_dtype)

    def step(carry, x_t):
        h, c = carry
        gates = x_t @ W_ih.T + h @ W_hh.T + b_ih + b_hh
        i, f, g, o = jnp.split(gates, 4, axis=-1)
        i = jax.nn.sigmoid(i)
        f = jax.nn.sigmoid(f)
        g = jnp.tanh(g)
        o = jax.nn.sigmoid(o)
        c_new = f * c + i * g
        h_new = o * jnp.tanh(c_new)
        return (h_new, c_new), h_new

    (_, _), ys = jax.lax.scan(step, (h0, c0), jnp.swapaxes(x, 0, 1))
    return jnp.swapaxes(ys, 0, 1)


def reference(tokens, embedding, W_ih, W_hh, b_ih, b_hh):
    # embedding lookup (gather) followed by recurrent LSTM over the sequence
    x = jnp.take(embedding, tokens, axis=0)  # [B, S, E]
    out = _lstm(x, W_ih, W_hh, b_ih, b_hh)   # [B, S, H]
    return out

if __name__ == "__main__":
    import jax
    _d = setup_inputs()
    print(jax.jit(kernel)(*tuple(_d.values())))

</pallas_src>

<mosaic_0001>
#map = affine_map<(d0, d1) -> (0, 0)>
#map1 = affine_map<(d0, d1) -> (0)>
module attributes {stable_mosaic.version = 14 : i64} {
  func.func @_sc_gather(%arg0: i32, %arg1: i32, %arg2: memref<32000x1024xf32, #tpu.memory_space<hbm>>, %arg3: memref<16384xi32, #tpu.memory_space<hbm>>, %arg4: memref<16384x1024xf32, #tpu.memory_space<hbm>>, %arg5: memref<512xi32, #tpu.memory_space<vmem>>, %arg6: memref<32x1024xf32, #tpu.memory_space<vmem>>, %arg7: memref<32x1024xf32, #tpu.memory_space<vmem>>, %arg8: memref<!tpu.dma_semaphore, #tpu.memory_space<semaphore_mem>>, %arg9: memref<!tpu.dma_semaphore, #tpu.memory_space<semaphore_mem>>) attributes {dimension_semantics = [#tpu.dimension_semantics<core_parallel>, #tpu.dimension_semantics<subcore_parallel>], iteration_bounds = array<i64: 2, 16>, scalar_prefetch = 0 : i64, scratch_operands = 5 : i64, tpu.core_type = #tpu.core_type<sc_vector_subcore>, window_params = [{transform_indices = #map}, {transform_indices = #map1}, {transform_indices = #map}]} {
    %mul3A = arith.constant 2 : i32
    %mul3A_0 = arith.muli %arg1, %mul3A : i32
    %add3A = arith.addi %mul3A_0, %arg0 : i32
    %mul3A_1 = arith.constant 512 : i32
    %mul3A_2 = arith.muli %add3A, %mul3A_1 : i32
    "tpu.region"() ({
      %run_scoped3A = tpu.sem_alloc : memref<!tpu.dma_semaphore, #tpu.memory_space<semaphore_mem>>
      %dma_start3A_193 = tpu.memref_slice %arg3[%mul3A_2] : memref<16384xi32, #tpu.memory_space<hbm>> -> memref<512xi32, #tpu.memory_space<hbm>>
      %dma_start3A_194 = tpu.memref_slice %arg3[%mul3A_2] : memref<16384xi32, #tpu.memory_space<hbm>> -> memref<512xi32, #tpu.memory_space<hbm>>
      tpu.enqueue_dma source(%dma_start3A_194 : memref<512xi32, #tpu.memory_space<hbm>>) target(%arg5 : memref<512xi32, #tpu.memory_space<vmem>>) target_semaphore(%run_scoped3A : memref<!tpu.dma_semaphore, #tpu.memory_space<semaphore_mem>>)
      %dma_wait3A_195 = tpu.memref_slice %arg3[%mul3A_2] : memref<16384xi32, #tpu.memory_space<hbm>> -> memref<512xi32, #tpu.memory_space<hbm>>
      %dma_wait3A_196 = tpu.memref_slice %arg3[%mul3A_2] : memref<16384xi32, #tpu.memory_space<hbm>> -> memref<512xi32, #tpu.memory_space<hbm>>
      tpu.wait_dma2 semaphore(%run_scoped3A : memref<!tpu.dma_semaphore, #tpu.memory_space<semaphore_mem>>) src(%dma_wait3A_196 : memref<512xi32, #tpu.memory_space<hbm>>) dst(%arg5 : memref<512xi32, #tpu.memory_space<vmem>>)
      tpu.yield
    }) : () -> ()
    %dma_start3A = arith.constant 0 : i32
    %dma_start3A_3 = tpu.memref_slice %arg5[%dma_start3A] : memref<512xi32, #tpu.memory_space<vmem>> -> memref<32xi32, #tpu.memory_space<vmem>>
    %dma_start3A_4 = arith.constant 0 : i32
    %dma_start3A_5 = arith.constant 0 : i32
    %dma_start3A_6 = tpu.memref_slice %arg2[%dma_start3A_4, %dma_start3A_5] : memref<32000x1024xf32, #tpu.memory_space<hbm>> -> memref<32000x1024xf32, #tpu.memory_space<hbm>>
    tpu.enqueue_indirect_dma source(%dma_start3A_6 : memref<32000x1024xf32, #tpu.memory_space<hbm>>) target(%arg6 : memref<32x1024xf32, #tpu.memory_space<vmem>>) offsets(%dma_start3A_3 : memref<32xi32, #tpu.memory_space<vmem>>) semaphore(%arg8 : memref<!tpu.dma_semaphore, #tpu.memory_space<semaphore_mem>>)
    %dma_start3A_7 = arith.constant 32 : i32
    %dma_start3A_8 = tpu.memref_slice %arg5[%dma_start3A_7] : memref<512xi32, #tpu.memory_space<vmem>> -> memref<32xi32, #tpu.memory_space<vmem>>
    %dma_start3A_9 = arith.constant 0 : i32
    %dma_start3A_10 = arith.constant 0 : i32
    %dma_start3A_11 = tpu.memref_slice %arg2[%dma_start3A_9, %dma_start3A_10] : memref<32000x1024xf32, #tpu.memory_space<hbm>> -> memref<32000x1024xf32, #tpu.memory_space<hbm>>
    tpu.enqueue_indirect_dma source(%dma_start3A_11 : memref<32000x1024xf32, #tpu.memory_space<hbm>>) target(%arg7 : memref<32x1024xf32, #tpu.memory_space<vmem>>) offsets(%dma_start3A_8 : memref<32xi32, #tpu.memory_space<vmem>>) semaphore(%arg9 : memref<!tpu.dma_semaphore, #tpu.memory_space<semaphore_mem>>)
    %dma_wait3A = arith.constant 0 : i32
    %dma_wait3A_12 = tpu.memref_slice %arg5[%dma_wait3A] : memref<512xi32, #tpu.memory_space<vmem>> -> memref<32xi32, #tpu.memory_space<vmem>>
    %dma_wait3A_13 = arith.constant 0 : i32
    %dma_wait3A_14 = arith.constant 0 : i32
    %dma_wait3A_15 = tpu.memref_slice %arg2[%dma_wait3A_13, %dma_wait3A_14] : memref<32000x1024xf32, #tpu.memory_space<hbm>> -> memref<32000x1024xf32, #tpu.memory_space<hbm>>
    tpu.wait_indirect_dma semaphore(%arg8 : memref<!tpu.dma_semaphore, #tpu.memory_space<semaphore_mem>>) src(%dma_wait3A_15 : memref<32000x1024xf32, #tpu.memory_space<hbm>>) dst(%arg6 : memref<32x1024xf32, #tpu.memory_space<vmem>>)
    %add3A_16 = arith.constant 0 : i32
    %add3A_17 = arith.addi %mul3A_2, %add3A_16 : i32
    "tpu.region"() ({
      %run_scoped3A = tpu.sem_alloc : memref<!tpu.dma_semaphore, #tpu.memory_space<semaphore_mem>>
      %dma_start3A_193 = arith.constant 0 : i32
      %dma_start3A_194 = tpu.memref_slice %arg4[%add3A_17, %dma_start3A_193] : memref<16384x1024xf32, #tpu.memory_space<hbm>> -> memref<32x1024xf32, #tpu.memory_space<hbm>>
      %dma_start3A_195 = arith.constant 0 : i32
      %dma_start3A_196 = tpu.memref_slice %arg4[%add3A_17, %dma_start3A_195] : memref<16384x1024xf32, #tpu.memory_space<hbm>> -> memref<32x1024xf32, #tpu.memory_space<hbm>>
      tpu.enqueue_dma source(%arg6 : memref<32x1024xf32, #tpu.memory_space<vmem>>) target(%dma_start3A_196 : memref<32x1024xf32, #tpu.memory_space<hbm>>) target_semaphore(%run_scoped3A : memref<!tpu.dma_semaphore, #tpu.memory_space<semaphore_mem>>)
      %dma_wait3A_197 = arith.constant 0 : i32
      %dma_wait3A_198 = tpu.memref_slice %arg4[%add3A_17, %dma_wait3A_197] : memref<16384x1024xf32, #tpu.memory_space<hbm>> -> memref<32x1024xf32, #tpu.memory_space<hbm>>
      %dma_wait3A_199 = arith.constant 0 : i32
      %dma_wait3A_200 = tpu.memref_slice %arg4[%add3A_17, %dma_wait3A_199] : memref<16384x1024xf32, #tpu.memory_space<hbm>> -> memref<32x1024xf32, #tpu.memory_space<hbm>>
      tpu.wait_dma2 semaphore(%run_scoped3A : memref<!tpu.dma_semaphore, #tpu.memory_space<semaphore_mem>>) src(%arg6 : memref<32x1024xf32, #tpu.memory_space<vmem>>) dst(%dma_wait3A_200 : memref<32x1024xf32, #tpu.memory_space<hbm>>)
      tpu.yield
    }) : () -> ()
    %dma_start3A_18 = arith.constant 64 : i32
    %dma_start3A_19 = tpu.memref_slice %arg5[%dma_start3A_18] : memref<512xi32, #tpu.memory_space<vmem>> -> memref<32xi32, #tpu.memory_space<vmem>>
    %dma_start3A_20 = arith.constant 0 : i32
    %dma_start3A_21 = arith.constant 0 : i32
    %dma_start3A_22 = tpu.memref_slice %arg2[%dma_start3A_20, %dma_start3A_21] : memref<32000x1024xf32, #tpu.memory_space<hbm>> -> memref<32000x1024xf32, #tpu.memory_space<hbm>>
    tpu.enqueue_indirect_dma source(%dma_start3A_22 : memref<32000x1024xf32, #tpu.memory_space<hbm>>) target(%arg6 : memref<32x1024xf32, #tpu.memory_space<vmem>>) offsets(%dma_start3A_19 : memref<32xi32, #tpu.memory_space<vmem>>) semaphore(%arg8 : memref<!tpu.dma_semaphore, #tpu.memory_space<semaphore_mem>>)
    %dma_wait3A_23 = arith.constant 32 : i32
    %dma_wait3A_24 = tpu.memref_slice %arg5[%dma_wait3A_23] : memref<512xi32, #tpu.memory_space<vmem>> -> memref<32xi32, #tpu.memory_space<vmem>>
    %dma_wait3A_25 = arith.constant 0 : i32
    %dma_wait3A_26 = arith.constant 0 : i32
    %dma_wait3A_27 = tpu.memref_slice %arg2[%dma_wait3A_25, %dma_wait3A_26] : memref<32000x1024xf32, #tpu.memory_space<hbm>> -> memref<32000x1024xf32, #tpu.memory_space<hbm>>
    tpu.wait_indirect_dma semaphore(%arg9 : memref<!tpu.dma_semaphore, #tpu.memory_space<semaphore_mem>>) src(%dma_wait3A_27 : memref<32000x1024xf32, #tpu.memory_space<hbm>>) dst(%arg7 : memref<32x1024xf32, #tpu.memory_space<vmem>>)
    %add3A_28 = arith.constant 32 : i32
    %add3A_29 = arith.addi %mul3A_2, %add3A_28 : i32
    "tpu.region"() ({
      %run_scoped3A = tpu.sem_alloc : memref<!tpu.dma_semaphore, #tpu.memory_space<semaphore_mem>>
      %dma_start3A_193 = arith.constant 0 : i32
      %dma_start3A_194 = tpu.memref_slice %arg4[%add3A_29, %dma_start3A_193] : memref<16384x1024xf32, #tpu.memory_space<hbm>> -> memref<32x1024xf32, #tpu.memory_space<hbm>>
      %dma_start3A_195 = arith.constant 0 : i32
      %dma_start3A_196 = tpu.memref_slice %arg4[%add3A_29, %dma_start3A_195] : memref<16384x1024xf32, #tpu.memory_space<hbm>> -> memref<32x1024xf32, #tpu.memory_space<hbm>>
      tpu.enqueue_dma source(%arg7 : memref<32x1024xf32, #tpu.memory_space<vmem>>) target(%dma_start3A_196 : memref<32x1024xf32, #tpu.memory_space<hbm>>) target_semaphore(%run_scoped3A : memref<!tpu.dma_semaphore, #tpu.memory_space<semaphore_mem>>)
      %dma_wait3A_197 = arith.constant 0 : i32
      %dma_wait3A_198 = tpu.memref_slice %arg4[%add3A_29, %dma_wait3A_197] : memref<16384x1024xf32, #tpu.memory_space<hbm>> -> memref<32x1024xf32, #tpu.memory_space<hbm>>
      %dma_wait3A_199 = arith.constant 0 : i32
      %dma_wait3A_200 = tpu.memref_slice %arg4[%add3A_29, %dma_wait3A_199] : memref<16384x1024xf32, #tpu.memory_space<hbm>> -> memref<32x1024xf32, #tpu.memory_space<hbm>>
      tpu.wait_dma2 semaphore(%run_scoped3A : memref<!tpu.dma_semaphore, #tpu.memory_space<semaphore_mem>>) src(%arg7 : memref<32x1024xf32, #tpu.memory_space<vmem>>) dst(%dma_wait3A_200 : memref<32x1024xf32, #tpu.memory_space<hbm>>)
      tpu.yield
    }) : () -> ()
    %dma_start3A_30 = arith.constant 96 : i32
    %dma_start3A_31 = tpu.memref_slice %arg5[%dma_start3A_30] : memref<512xi32, #tpu.memory_space<vmem>> -> memref<32xi32, #tpu.memory_space<vmem>>
    %dma_start3A_32 = arith.constant 0 : i32
    %dma_start3A_33 = arith.constant 0 : i32
    %dma_start3A_34 = tpu.memref_slice %arg2[%dma_start3A_32, %dma_start3A_33] : memref<32000x1024xf32, #tpu.memory_space<hbm>> -> memref<32000x1024xf32, #tpu.memory_space<hbm>>
    tpu.enqueue_indirect_dma source(%dma_start3A_34 : memref<32000x1024xf32, #tpu.memory_space<hbm>>) target(%arg7 : memref<32x1024xf32, #tpu.memory_space<vmem>>) offsets(%dma_start3A_31 : memref<32xi32, #tpu.memory_space<vmem>>) semaphore(%arg9 : memref<!tpu.dma_semaphore, #tpu.memory_space<semaphore_mem>>)
    %dma_wait3A_35 = arith.constant 64 : i32
    %dma_wait3A_36 = tpu.memref_slice %arg5[%dma_wait3A_35] : memref<512xi32, #tpu.memory_space<vmem>> -> memref<32xi32, #tpu.memory_space<vmem>>
    %dma_wait3A_37 = arith.constant 0 : i32
    %dma_wait3A_38 = arith.constant 0 : i32
    %dma_wait3A_39 = tpu.memref_slice %arg2[%dma_wait3A_37, %dma_wait3A_38] : memref<32000x1024xf32, #tpu.memory_space<hbm>> -> memref<32000x1024xf32, #tpu.memory_space<hbm>>
    tpu.wait_indirect_dma semaphore(%arg8 : memref<!tpu.dma_semaphore, #tpu.memory_space<semaphore_mem>>) src(%dma_wait3A_39 : memref<32000x1024xf32, #tpu.memory_space<hbm>>) dst(%arg6 : memref<32x1024xf32, #tpu.memory_space<vmem>>)
    %add3A_40 = arith.constant 64 : i32
    %add3A_41 = arith.addi %mul3A_2, %add3A_40 : i32
    "tpu.region"() ({
      %run_scoped3A = tpu.sem_alloc : memref<!tpu.dma_semaphore, #tpu.memory_space<semaphore_mem>>
      %dma_start3A_193 = arith.constant 0 : i32
      %dma_start3A_194 = tpu.memref_slice %arg4[%add3A_41, %dma_start3A_193] : memref<16384x1024xf32, #tpu.memory_space<hbm>> -> memref<32x1024xf32, #tpu.memory_space<hbm>>
      %dma_start3A_195 = arith.constant 0 : i32
      %dma_start3A_196 = tpu.memref_slice %arg4[%add3A_41, %dma_start3A_195] : memref<16384x1024xf32, #tpu.memory_space<hbm>> -> memref<32x1024xf32, #tpu.memory_space<hbm>>
      tpu.enqueue_dma source(%arg6 : memref<32x1024xf32, #tpu.memory_space<vmem>>) target(%dma_start3A_196 : memref<32x1024xf32, #tpu.memory_space<hbm>>) target_semaphore(%run_scoped3A : memref<!tpu.dma_semaphore, #tpu.memory_space<semaphore_mem>>)
      %dma_wait3A_197 = arith.constant 0 : i32
      %dma_wait3A_198 = tpu.memref_slice %arg4[%add3A_41, %dma_wait3A_197] : memref<16384x1024xf32, #tpu.memory_space<hbm>> -> memref<32x1024xf32, #tpu.memory_space<hbm>>
      %dma_wait3A_199 = arith.constant 0 : i32
      %dma_wait3A_200 = tpu.memref_slice %arg4[%add3A_41, %dma_wait3A_199] : memref<16384x1024xf32, #tpu.memory_space<hbm>> -> memref<32x1024xf32, #tpu.memory_space<hbm>>
      tpu.wait_dma2 semaphore(%run_scoped3A : memref<!tpu.dma_semaphore, #tpu.memory_space<semaphore_mem>>) src(%arg6 : memref<32x1024xf32, #tpu.memory_space<vmem>>) dst(%dma_wait3A_200 : memref<32x1024xf32, #tpu.memory_space<hbm>>)
      tpu.yield
    }) : () -> ()
    %dma_start3A_42 = arith.constant 128 : i32
    %dma_start3A_43 = tpu.memref_slice %arg5[%dma_start3A_42] : memref<512xi32, #tpu.memory_space<vmem>> -> memref<32xi32, #tpu.memory_space<vmem>>
    %dma_start3A_44 = arith.constant 0 : i32
    %dma_start3A_45 = arith.constant 0 : i32
    %dma_start3A_46 = tpu.memref_slice %arg2[%dma_start3A_44, %dma_start3A_45] : memref<32000x1024xf32, #tpu.memory_space<hbm>> -> memref<32000x1024xf32, #tpu.memory_space<hbm>>
    tpu.enqueue_indirect_dma source(%dma_start3A_46 : memref<32000x1024xf32, #tpu.memory_space<hbm>>) target(%arg6 : memref<32x1024xf32, #tpu.memory_space<vmem>>) offsets(%dma_start3A_43 : memref<32xi32, #tpu.memory_space<vmem>>) semaphore(%arg8 : memref<!tpu.dma_semaphore, #tpu.memory_space<semaphore_mem>>)
    %dma_wait3A_47 = arith.constant 96 : i32
    %dma_wait3A_48 = tpu.memref_slice %arg5[%dma_wait3A_47] : memref<512xi32, #tpu.memory_space<vmem>> -> memref<32xi32, #tpu.memory_space<vmem>>
    %dma_wait3A_49 = arith.constant 0 : i32
    %dma_wait3A_50 = arith.constant 0 : i32
    %dma_wait3A_51 = tpu.memref_slice %arg2[%dma_wait3A_49, %dma_wait3A_50] : memref<32000x1024xf32, #tpu.memory_space<hbm>> -> memref<32000x1024xf32, #tpu.memory_space<hbm>>
    tpu.wait_indirect_dma semaphore(%arg9 : memref<!tpu.dma_semaphore, #tpu.memory_space<semaphore_mem>>) src(%dma_wait3A_51 : memref<32000x1024xf32, #tpu.memory_space<hbm>>) dst(%arg7 : memref<32x1024xf32, #tpu.memory_space<vmem>>)
    %add3A_52 = arith.constant 96 : i32
    %add3A_53 = arith.addi %mul3A_2, %add3A_52 : i32
    "tpu.region"() ({
      %run_scoped3A = tpu.sem_alloc : memref<!tpu.dma_semaphore, #tpu.memory_space<semaphore_mem>>
      %dma_start3A_193 = arith.constant 0 : i32
      %dma_start3A_194 = tpu.memref_slice %arg4[%add3A_53, %dma_start3A_193] : memref<16384x1024xf32, #tpu.memory_space<hbm>> -> memref<32x1024xf32, #tpu.memory_space<hbm>>
      %dma_start3A_195 = arith.constant 0 : i32
      %dma_start3A_196 = tpu.memref_slice %arg4[%add3A_53, %dma_start3A_195] : memref<16384x1024xf32, #tpu.memory_space<hbm>> -> memref<32x1024xf32, #tpu.memory_space<hbm>>
      tpu.enqueue_dma source(%arg7 : memref<32x1024xf32, #tpu.memory_space<vmem>>) target(%dma_start3A_196 : memref<32x1024xf32, #tpu.memory_space<hbm>>) target_semaphore(%run_scoped3A : memref<!tpu.dma_semaphore, #tpu.memory_space<semaphore_mem>>)
      %dma_wait3A_197 = arith.constant 0 : i32
      %dma_wait3A_198 = tpu.memref_slice %arg4[%add3A_53, %dma_wait3A_197] : memref<16384x1024xf32, #tpu.memory_space<hbm>> -> memref<32x1024xf32, #tpu.memory_space<hbm>>
      %dma_wait3A_199 = arith.constant 0 : i32
      %dma_wait3A_200 = tpu.memref_slice %arg4[%add3A_53, %dma_wait3A_199] : memref<16384x1024xf32, #tpu.memory_space<hbm>> -> memref<32x1024xf32, #tpu.memory_space<hbm>>
      tpu.wait_dma2 semaphore(%run_scoped3A : memref<!tpu.dma_semaphore, #tpu.memory_space<semaphore_mem>>) src(%arg7 : memref<32x1024xf32, #tpu.memory_space<vmem>>) dst(%dma_wait3A_200 : memref<32x1024xf32, #tpu.memory_space<hbm>>)
      tpu.yield
    }) : () -> ()
    %dma_start3A_54 = arith.constant 160 : i32
    %dma_start3A_55 = tpu.memref_slice %arg5[%dma_start3A_54] : memref<512xi32, #tpu.memory_space<vmem>> -> memref<32xi32, #tpu.memory_space<vmem>>
    %dma_start3A_56 = arith.constant 0 : i32
    %dma_start3A_57 = arith.constant 0 : i32
    %dma_start3A_58 = tpu.memref_slice %arg2[%dma_start3A_56, %dma_start3A_57] : memref<32000x1024xf32, #tpu.memory_space<hbm>> -> memref<32000x1024xf32, #tpu.memory_space<hbm>>
    tpu.enqueue_indirect_dma source(%dma_start3A_58 : memref<32000x1024xf32, #tpu.memory_space<hbm>>) target(%arg7 : memref<32x1024xf32, #tpu.memory_space<vmem>>) offsets(%dma_start3A_55 : memref<32xi32, #tpu.memory_space<vmem>>) semaphore(%arg9 : memref<!tpu.dma_semaphore, #tpu.memory_space<semaphore_mem>>)
    %dma_wait3A_59 = arith.constant 128 : i32
    %dma_wait3A_60 = tpu.memref_slice %arg5[%dma_wait3A_59] : memref<512xi32, #tpu.memory_space<vmem>> -> memref<32xi32, #tpu.memory_space<vmem>>
    %dma_wait3A_61 = arith.constant 0 : i32
    %dma_wait3A_62 = arith.constant 0 : i32
    %dma_wait3A_63 = tpu.memref_slice %arg2[%dma_wait3A_61, %dma_wait3A_62] : memref<32000x1024xf32, #tpu.memory_space<hbm>> -> memref<32000x1024xf32, #tpu.memory_space<hbm>>
    tpu.wait_indirect_dma semaphore(%arg8 : memref<!tpu.dma_semaphore, #tpu.memory_space<semaphore_mem>>) src(%dma_wait3A_63 : memref<32000x1024xf32, #tpu.memory_space<hbm>>) dst(%arg6 : memref<32x1024xf32, #tpu.memory_space<vmem>>)
    %add3A_64 = arith.constant 128 : i32
    %add3A_65 = arith.addi %mul3A_2, %add3A_64 : i32
    "tpu.region"() ({
      %run_scoped3A = tpu.sem_alloc : memref<!tpu.dma_semaphore, #tpu.memory_space<semaphore_mem>>
      %dma_start3A_193 = arith.constant 0 : i32
      %dma_start3A_194 = tpu.memref_slice %arg4[%add3A_65, %dma_start3A_193] : memref<16384x1024xf32, #tpu.memory_space<hbm>> -> memref<32x1024xf32, #tpu.memory_space<hbm>>
      %dma_start3A_195 = arith.constant 0 : i32
      %dma_start3A_196 = tpu.memref_slice %arg4[%add3A_65, %dma_start3A_195] : memref<16384x1024xf32, #tpu.memory_space<hbm>> -> memref<32x1024xf32, #tpu.memory_space<hbm>>
      tpu.enqueue_dma source(%arg6 : memref<32x1024xf32, #tpu.memory_space<vmem>>) target(%dma_start3A_196 : memref<32x1024xf32, #tpu.memory_space<hbm>>) target_semaphore(%run_scoped3A : memref<!tpu.dma_semaphore, #tpu.memory_space<semaphore_mem>>)
      %dma_wait3A_197 = arith.constant 0 : i32
      %dma_wait3A_198 = tpu.memref_slice %arg4[%add3A_65, %dma_wait3A_197] : memref<16384x1024xf32, #tpu.memory_space<hbm>> -> memref<32x1024xf32, #tpu.memory_space<hbm>>
      %dma_wait3A_199 = arith.constant 0 : i32
      %dma_wait3A_200 = tpu.memref_slice %arg4[%add3A_65, %dma_wait3A_199] : memref<16384x1024xf32, #tpu.memory_space<hbm>> -> memref<32x1024xf32, #tpu.memory_space<hbm>>
      tpu.wait_dma2 semaphore(%run_scoped3A : memref<!tpu.dma_semaphore, #tpu.memory_space<semaphore_mem>>) src(%arg6 : memref<32x1024xf32, #tpu.memory_space<vmem>>) dst(%dma_wait3A_200 : memref<32x1024xf32, #tpu.memory_space<hbm>>)
      tpu.yield
    }) : () -> ()
    %dma_start3A_66 = arith.constant 192 : i32
    %dma_start3A_67 = tpu.memref_slice %arg5[%dma_start3A_66] : memref<512xi32, #tpu.memory_space<vmem>> -> memref<32xi32, #tpu.memory_space<vmem>>
    %dma_start3A_68 = arith.constant 0 : i32
    %dma_start3A_69 = arith.constant 0 : i32
    %dma_start3A_70 = tpu.memref_slice %arg2[%dma_start3A_68, %dma_start3A_69] : memref<32000x1024xf32, #tpu.memory_space<hbm>> -> memref<32000x1024xf32, #tpu.memory_space<hbm>>
    tpu.enqueue_indirect_dma source(%dma_start3A_70 : memref<32000x1024xf32, #tpu.memory_space<hbm>>) target(%arg6 : memref<32x1024xf32, #tpu.memory_space<vmem>>) offsets(%dma_start3A_67 : memref<32xi32, #tpu.memory_space<vmem>>) semaphore(%arg8 : memref<!tpu.dma_semaphore, #tpu.memory_space<semaphore_mem>>)
    %dma_wait3A_71 = arith.constant 160 : i32
    %dma_wait3A_72 = tpu.memref_slice %arg5[%dma_wait3A_71] : memref<512xi32, #tpu.memory_space<vmem>> -> memref<32xi32, #tpu.memory_space<vmem>>
    %dma_wait3A_73 = arith.constant 0 : i32
    %dma_wait3A_74 = arith.constant 0 : i32
    %dma_wait3A_75 = tpu.memref_slice %arg2[%dma_wait3A_73, %dma_wait3A_74] : memref<32000x1024xf32, #tpu.memory_space<hbm>> -> memref<32000x1024xf32, #tpu.memory_space<hbm>>
    tpu.wait_indirect_dma semaphore(%arg9 : memref<!tpu.dma_semaphore, #tpu.memory_space<semaphore_mem>>) src(%dma_wait3A_75 : memref<32000x1024xf32, #tpu.memory_space<hbm>>) dst(%arg7 : memref<32x1024xf32, #tpu.memory_space<vmem>>)
    %add3A_76 = arith.constant 160 : i32
    %add3A_77 = arith.addi %mul3A_2, %add3A_76 : i32
    "tpu.region"() ({
      %run_scoped3A = tpu.sem_alloc : memref<!tpu.dma_semaphore, #tpu.memory_space<semaphore_mem>>
      %dma_start3A_193 = arith.constant 0 : i32
      %dma_start3A_194 = tpu.memref_slice %arg4[%add3A_77, %dma_start3A_193] : memref<16384x1024xf32, #tpu.memory_space<hbm>> -> memref<32x1024xf32, #tpu.memory_space<hbm>>
      %dma_start3A_195 = arith.constant 0 : i32
      %dma_start3A_196 = tpu.memref_slice %arg4[%add3A_77, %dma_start3A_195] : memref<16384x1024xf32, #tpu.memory_space<hbm>> -> memref<32x1024xf32, #tpu.memory_space<hbm>>
      tpu.enqueue_dma source(%arg7 : memref<32x1024xf32, #tpu.memory_space<vmem>>) target(%dma_start3A_196 : memref<32x1024xf32, #tpu.memory_space<hbm>>) target_semaphore(%run_scoped3A : memref<!tpu.dma_semaphore, #tpu.memory_space<semaphore_mem>>)
      %dma_wait3A_197 = arith.constant 0 : i32
      %dma_wait3A_198 = tpu.memref_slice %arg4[%add3A_77, %dma_wait3A_197] : memref<16384x1024xf32, #tpu.memory_space<hbm>> -> memref<32x1024xf32, #tpu.memory_space<hbm>>
      %dma_wait3A_199 = arith.constant 0 : i32
      %dma_wait3A_200 = tpu.memref_slice %arg4[%add3A_77, %dma_wait3A_199] : memref<16384x1024xf32, #tpu.memory_space<hbm>> -> memref<32x1024xf32, #tpu.memory_space<hbm>>
      tpu.wait_dma2 semaphore(%run_scoped3A : memref<!tpu.dma_semaphore, #tpu.memory_space<semaphore_mem>>) src(%arg7 : memref<32x1024xf32, #tpu.memory_space<vmem>>) dst(%dma_wait3A_200 : memref<32x1024xf32, #tpu.memory_space<hbm>>)
      tpu.yield
    }) : () -> ()
    %dma_start3A_78 = arith.constant 224 : i32
    %dma_start3A_79 = tpu.memref_slice %arg5[%dma_start3A_78] : memref<512xi32, #tpu.memory_space<vmem>> -> memref<32xi32, #tpu.memory_space<vmem>>
    %dma_start3A_80 = arith.constant 0 : i32
    %dma_start3A_81 = arith.constant 0 : i32
    %dma_start3A_82 = tpu.memref_slice %arg2[%dma_start3A_80, %dma_start3A_81] : memref<32000x1024xf32, #tpu.memory_space<hbm>> -> memref<32000x1024xf32, #tpu.memory_space<hbm>>
    tpu.enqueue_indirect_dma source(%dma_start3A_82 : memref<32000x1024xf32, #tpu.memory_space<hbm>>) target(%arg7 : memref<32x1024xf32, #tpu.memory_space<vmem>>) offsets(%dma_start3A_79 : memref<32xi32, #tpu.memory_space<vmem>>) semaphore(%arg9 : memref<!tpu.dma_semaphore, #tpu.memory_space<semaphore_mem>>)
    %dma_wait3A_83 = arith.constant 192 : i32
    %dma_wait3A_84 = tpu.memref_slice %arg5[%dma_wait3A_83] : memref<512xi32, #tpu.memory_space<vmem>> -> memref<32xi32, #tpu.memory_space<vmem>>
    %dma_wait3A_85 = arith.constant 0 : i32
    %dma_wait3A_86 = arith.constant 0 : i32
    %dma_wait3A_87 = tpu.memref_slice %arg2[%dma_wait3A_85, %dma_wait3A_86] : memref<32000x1024xf32, #tpu.memory_space<hbm>> -> memref<32000x1024xf32, #tpu.memory_space<hbm>>
    tpu.wait_indirect_dma semaphore(%arg8 : memref<!tpu.dma_semaphore, #tpu.memory_space<semaphore_mem>>) src(%dma_wait3A_87 : memref<32000x1024xf32, #tpu.memory_space<hbm>>) dst(%arg6 : memref<32x1024xf32, #tpu.memory_space<vmem>>)
    %add3A_88 = arith.constant 192 : i32
    %add3A_89 = arith.addi %mul3A_2, %add3A_88 : i32
    "tpu.region"() ({
      %run_scoped3A = tpu.sem_alloc : memref<!tpu.dma_semaphore, #tpu.memory_space<semaphore_mem>>
      %dma_start3A_193 = arith.constant 0 : i32
      %dma_start3A_194 = tpu.memref_slice %arg4[%add3A_89, %dma_start3A_193] : memref<16384x1024xf32, #tpu.memory_space<hbm>> -> memref<32x1024xf32, #tpu.memory_space<hbm>>
      %dma_start3A_195 = arith.constant 0 : i32
      %dma_start3A_196 = tpu.memref_slice %arg4[%add3A_89, %dma_start3A_195] : memref<16384x1024xf32, #tpu.memory_space<hbm>> -> memref<32x1024xf32, #tpu.memory_space<hbm>>
      tpu.enqueue_dma source(%arg6 : memref<32x1024xf32, #tpu.memory_space<vmem>>) target(%dma_start3A_196 : memref<32x1024xf32, #tpu.memory_space<hbm>>) target_semaphore(%run_scoped3A : memref<!tpu.dma_semaphore, #tpu.memory_space<semaphore_mem>>)
      %dma_wait3A_197 = arith.constant 0 : i32
      %dma_wait3A_198 = tpu.memref_slice %arg4[%add3A_89, %dma_wait3A_197] : memref<16384x1024xf32, #tpu.memory_space<hbm>> -> memref<32x1024xf32, #tpu.memory_space<hbm>>
      %dma_wait3A_199 = arith.constant 0 : i32
      %dma_wait3A_200 = tpu.memref_slice %arg4[%add3A_89, %dma_wait3A_199] : memref<16384x1024xf32, #tpu.memory_space<hbm>> -> memref<32x1024xf32, #tpu.memory_space<hbm>>
      tpu.wait_dma2 semaphore(%run_scoped3A : memref<!tpu.dma_semaphore, #tpu.memory_space<semaphore_mem>>) src(%arg6 : memref<32x1024xf32, #tpu.memory_space<vmem>>) dst(%dma_wait3A_200 : memref<32x1024xf32, #tpu.memory_space<hbm>>)
      tpu.yield
    }) : () -> ()
    %dma_start3A_90 = arith.constant 256 : i32
    %dma_start3A_91 = tpu.memref_slice %arg5[%dma_start3A_90] : memref<512xi32, #tpu.memory_space<vmem>> -> memref<32xi32, #tpu.memory_space<vmem>>
    %dma_start3A_92 = arith.constant 0 : i32
    %dma_start3A_93 = arith.constant 0 : i32
    %dma_start3A_94 = tpu.memref_slice %arg2[%dma_start3A_92, %dma_start3A_93] : memref<32000x1024xf32, #tpu.memory_space<hbm>> -> memref<32000x1024xf32, #tpu.memory_space<hbm>>
    tpu.enqueue_indirect_dma source(%dma_start3A_94 : memref<32000x1024xf32, #tpu.memory_space<hbm>>) target(%arg6 : memref<32x1024xf32, #tpu.memory_space<vmem>>) offsets(%dma_start3A_91 : memref<32xi32, #tpu.memory_space<vmem>>) semaphore(%arg8 : memref<!tpu.dma_semaphore, #tpu.memory_space<semaphore_mem>>)
    %dma_wait3A_95 = arith.constant 224 : i32
    %dma_wait3A_96 = tpu.memref_slice %arg5[%dma_wait3A_95] : memref<512xi32, #tpu.memory_space<vmem>> -> memref<32xi32, #tpu.memory_space<vmem>>
    %dma_wait3A_97 = arith.constant 0 : i32
    %dma_wait3A_98 = arith.constant 0 : i32
    %dma_wait3A_99 = tpu.memref_slice %arg2[%dma_wait3A_97, %dma_wait3A_98] : memref<32000x1024xf32, #tpu.memory_space<hbm>> -> memref<32000x1024xf32, #tpu.memory_space<hbm>>
    tpu.wait_indirect_dma semaphore(%arg9 : memref<!tpu.dma_semaphore, #tpu.memory_space<semaphore_mem>>) src(%dma_wait3A_99 : memref<32000x1024xf32, #tpu.memory_space<hbm>>) dst(%arg7 : memref<32x1024xf32, #tpu.memory_space<vmem>>)
    %add3A_100 = arith.constant 224 : i32
    %add3A_101 = arith.addi %mul3A_2, %add3A_100 : i32
    "tpu.region"() ({
      %run_scoped3A = tpu.sem_alloc : memref<!tpu.dma_semaphore, #tpu.memory_space<semaphore_mem>>
      %dma_start3A_193 = arith.constant 0 : i32
      %dma_start3A_194 = tpu.memref_slice %arg4[%add3A_101, %dma_start3A_193] : memref<16384x1024xf32, #tpu.memory_space<hbm>> -> memref<32x1024xf32, #tpu.memory_space<hbm>>
      %dma_start3A_195 = arith.constant 0 : i32
      %dma_start3A_196 = tpu.memref_slice %arg4[%add3A_101, %dma_start3A_195] : memref<16384x1024xf32, #tpu.memory_space<hbm>> -> memref<32x1024xf32, #tpu.memory_space<hbm>>
      tpu.enqueue_dma source(%arg7 : memref<32x1024xf32, #tpu.memory_space<vmem>>) target(%dma_start3A_196 : memref<32x1024xf32, #tpu.memory_space<hbm>>) target_semaphore(%run_scoped3A : memref<!tpu.dma_semaphore, #tpu.memory_space<semaphore_mem>>)
      %dma_wait3A_197 = arith.constant 0 : i32
      %dma_wait3A_198 = tpu.memref_slice %arg4[%add3A_101, %dma_wait3A_197] : memref<16384x1024xf32, #tpu.memory_space<hbm>> -> memref<32x1024xf32, #tpu.memory_space<hbm>>
      %dma_wait3A_199 = arith.constant 0 : i32
      %dma_wait3A_200 = tpu.memref_slice %arg4[%add3A_101, %dma_wait3A_199] : memref<16384x1024xf32, #tpu.memory_space<hbm>> -> memref<32x1024xf32, #tpu.memory_space<hbm>>
      tpu.wait_dma2 semaphore(%run_scoped3A : memref<!tpu.dma_semaphore, #tpu.memory_space<semaphore_mem>>) src(%arg7 : memref<32x1024xf32, #tpu.memory_space<vmem>>) dst(%dma_wait3A_200 : memref<32x1024xf32, #tpu.memory_space<hbm>>)
      tpu.yield
    }) : () -> ()
    %dma_start3A_102 = arith.constant 288 : i32
    %dma_start3A_103 = tpu.memref_slice %arg5[%dma_start3A_102] : memref<512xi32, #tpu.memory_space<vmem>> -> memref<32xi32, #tpu.memory_space<vmem>>
    %dma_start3A_104 = arith.constant 0 : i32
    %dma_start3A_105 = arith.constant 0 : i32
    %dma_start3A_106 = tpu.memref_slice %arg2[%dma_start3A_104, %dma_start3A_105] : memref<32000x1024xf32, #tpu.memory_space<hbm>> -> memref<32000x1024xf32, #tpu.memory_space<hbm>>
    tpu.enqueue_indirect_dma source(%dma_start3A_106 : memref<32000x1024xf32, #tpu.memory_space<hbm>>) target(%arg7 : memref<32x1024xf32, #tpu.memory_space<vmem>>) offsets(%dma_start3A_103 : memref<32xi32, #tpu.memory_space<vmem>>) semaphore(%arg9 : memref<!tpu.dma_semaphore, #tpu.memory_space<semaphore_mem>>)
    %dma_wait3A_107 = arith.constant 256 : i32
    %dma_wait3A_108 = tpu.memref_slice %arg5[%dma_wait3A_107] : memref<512xi32, #tpu.memory_space<vmem>> -> memref<32xi32, #tpu.memory_space<vmem>>
    %dma_wait3A_109 = arith.constant 0 : i32
    %dma_wait3A_110 = arith.constant 0 : i32
    %dma_wait3A_111 = tpu.memref_slice %arg2[%dma_wait3A_109, %dma_wait3A_110] : memref<32000x1024xf32, #tpu.memory_space<hbm>> -> memref<32000x1024xf32, #tpu.memory_space<hbm>>
    tpu.wait_indirect_dma semaphore(%arg8 : memref<!tpu.dma_semaphore, #tpu.memory_space<semaphore_mem>>) src(%dma_wait3A_111 : memref<32000x1024xf32, #tpu.memory_space<hbm>>) dst(%arg6 : memref<32x1024xf32, #tpu.memory_space<vmem>>)
    %add3A_112 = arith.constant 256 : i32
    %add3A_113 = arith.addi %mul3A_2, %add3A_112 : i32
    "tpu.region"() ({
      %run_scoped3A = tpu.sem_alloc : memref<!tpu.dma_semaphore, #tpu.memory_space<semaphore_mem>>
      %dma_start3A_193 = arith.constant 0 : i32
      %dma_start3A_194 = tpu.memref_slice %arg4[%add3A_113, %dma_start3A_193] : memref<16384x1024xf32, #tpu.memory_space<hbm>> -> memref<32x1024xf32, #tpu.memory_space<hbm>>
      %dma_start3A_195 = arith.constant 0 : i32
      %dma_start3A_196 = tpu.memref_slice %arg4[%add3A_113, %dma_start3A_195] : memref<16384x1024xf32, #tpu.memory_space<hbm>> -> memref<32x1024xf32, #tpu.memory_space<hbm>>
      tpu.enqueue_dma source(%arg6 : memref<32x1024xf32, #tpu.memory_space<vmem>>) target(%dma_start3A_196 : memref<32x1024xf32, #tpu.memory_space<hbm>>) target_semaphore(%run_scoped3A : memref<!tpu.dma_semaphore, #tpu.memory_space<semaphore_mem>>)
      %dma_wait3A_197 = arith.constant 0 : i32
      %dma_wait3A_198 = tpu.memref_slice %arg4[%add3A_113, %dma_wait3A_197] : memref<16384x1024xf32, #tpu.memory_space<hbm>> -> memref<32x1024xf32, #tpu.memory_space<hbm>>
      %dma_wait3A_199 = arith.constant 0 : i32
      %dma_wait3A_200 = tpu.memref_slice %arg4[%add3A_113, %dma_wait3A_199] : memref<16384x1024xf32, #tpu.memory_space<hbm>> -> memref<32x1024xf32, #tpu.memory_space<hbm>>
      tpu.wait_dma2 semaphore(%run_scoped3A : memref<!tpu.dma_semaphore, #tpu.memory_space<semaphore_mem>>) src(%arg6 : memref<32x1024xf32, #tpu.memory_space<vmem>>) dst(%dma_wait3A_200 : memref<32x1024xf32, #tpu.memory_space<hbm>>)
      tpu.yield
    }) : () -> ()
    %dma_start3A_114 = arith.constant 320 : i32
    %dma_start3A_115 = tpu.memref_slice %arg5[%dma_start3A_114] : memref<512xi32, #tpu.memory_space<vmem>> -> memref<32xi32, #tpu.memory_space<vmem>>
    %dma_start3A_116 = arith.constant 0 : i32
    %dma_start3A_117 = arith.constant 0 : i32
    %dma_start3A_118 = tpu.memref_slice %arg2[%dma_start3A_116, %dma_start3A_117] : memref<32000x1024xf32, #tpu.memory_space<hbm>> -> memref<32000x1024xf32, #tpu.memory_space<hbm>>
    tpu.enqueue_indirect_dma source(%dma_start3A_118 : memref<32000x1024xf32, #tpu.memory_space<hbm>>) target(%arg6 : memref<32x1024xf32, #tpu.memory_space<vmem>>) offsets(%dma_start3A_115 : memref<32xi32, #tpu.memory_space<vmem>>) semaphore(%arg8 : memref<!tpu.dma_semaphore, #tpu.memory_space<semaphore_mem>>)
    %dma_wait3A_119 = arith.constant 288 : i32
    %dma_wait3A_120 = tpu.memref_slice %arg5[%dma_wait3A_119] : memref<512xi32, #tpu.memory_space<vmem>> -> memref<32xi32, #tpu.memory_space<vmem>>
    %dma_wait3A_121 = arith.constant 0 : i32
    %dma_wait3A_122 = arith.constant 0 : i32
    %dma_wait3A_123 = tpu.memref_slice %arg2[%dma_wait3A_121, %dma_wait3A_122] : memref<32000x1024xf32, #tpu.memory_space<hbm>> -> memref<32000x1024xf32, #tpu.memory_space<hbm>>
    tpu.wait_indirect_dma semaphore(%arg9 : memref<!tpu.dma_semaphore, #tpu.memory_space<semaphore_mem>>) src(%dma_wait3A_123 : memref<32000x1024xf32, #tpu.memory_space<hbm>>) dst(%arg7 : memref<32x1024xf32, #tpu.memory_space<vmem>>)
    %add3A_124 = arith.constant 288 : i32
    %add3A_125 = arith.addi %mul3A_2, %add3A_124 : i32
    "tpu.region"() ({
      %run_scoped3A = tpu.sem_alloc : memref<!tpu.dma_semaphore, #tpu.memory_space<semaphore_mem>>
      %dma_start3A_193 = arith.constant 0 : i32
      %dma_start3A_194 = tpu.memref_slice %arg4[%add3A_125, %dma_start3A_193] : memref<16384x1024xf32, #tpu.memory_space<hbm>> -> memref<32x1024xf32, #tpu.memory_space<hbm>>
      %dma_start3A_195 = arith.constant 0 : i32
      %dma_start3A_196 = tpu.memref_slice %arg4[%add3A_125, %dma_start3A_195] : memref<16384x1024xf32, #tpu.memory_space<hbm>> -> memref<32x1024xf32, #tpu.memory_space<hbm>>
      tpu.enqueue_dma source(%arg7 : memref<32x1024xf32, #tpu.memory_space<vmem>>) target(%dma_start3A_196 : memref<32x1024xf32, #tpu.memory_space<hbm>>) target_semaphore(%run_scoped3A : memref<!tpu.dma_semaphore, #tpu.memory_space<semaphore_mem>>)
      %dma_wait3A_197 = arith.constant 0 : i32
      %dma_wait3A_198 = tpu.memref_slice %arg4[%add3A_125, %dma_wait3A_197] : memref<16384x1024xf32, #tpu.memory_space<hbm>> -> memref<32x1024xf32, #tpu.memory_space<hbm>>
      %dma_wait3A_199 = arith.constant 0 : i32
      %dma_wait3A_200 = tpu.memref_slice %arg4[%add3A_125, %dma_wait3A_199] : memref<16384x1024xf32, #tpu.memory_space<hbm>> -> memref<32x1024xf32, #tpu.memory_space<hbm>>
      tpu.wait_dma2 semaphore(%run_scoped3A : memref<!tpu.dma_semaphore, #tpu.memory_space<semaphore_mem>>) src(%arg7 : memref<32x1024xf32, #tpu.memory_space<vmem>>) dst(%dma_wait3A_200 : memref<32x1024xf32, #tpu.memory_space<hbm>>)
      tpu.yield
    }) : () -> ()
    %dma_start3A_126 = arith.constant 352 : i32
    %dma_start3A_127 = tpu.memref_slice %arg5[%dma_start3A_126] : memref<512xi32, #tpu.memory_space<vmem>> -> memref<32xi32, #tpu.memory_space<vmem>>
    %dma_start3A_128 = arith.constant 0 : i32
    %dma_start3A_129 = arith.constant 0 : i32
    %dma_start3A_130 = tpu.memref_slice %arg2[%dma_start3A_128, %dma_start3A_129] : memref<32000x1024xf32, #tpu.memory_space<hbm>> -> memref<32000x1024xf32, #tpu.memory_space<hbm>>
    tpu.enqueue_indirect_dma source(%dma_start3A_130 : memref<32000x1024xf32, #tpu.memory_space<hbm>>) target(%arg7 : memref<32x1024xf32, #tpu.memory_space<vmem>>) offsets(%dma_start3A_127 : memref<32xi32, #tpu.memory_space<vmem>>) semaphore(%arg9 : memref<!tpu.dma_semaphore, #tpu.memory_space<semaphore_mem>>)
    %dma_wait3A_131 = arith.constant 320 : i32
    %dma_wait3A_132 = tpu.memref_slice %arg5[%dma_wait3A_131] : memref<512xi32, #tpu.memory_space<vmem>> -> memref<32xi32, #tpu.memory_space<vmem>>
    %dma_wait3A_133 = arith.constant 0 : i32
    %dma_wait3A_134 = arith.constant 0 : i32
    %dma_wait3A_135 = tpu.memref_slice %arg2[%dma_wait3A_133, %dma_wait3A_134] : memref<32000x1024xf32, #tpu.memory_space<hbm>> -> memref<32000x1024xf32, #tpu.memory_space<hbm>>
    tpu.wait_indirect_dma semaphore(%arg8 : memref<!tpu.dma_semaphore, #tpu.memory_space<semaphore_mem>>) src(%dma_wait3A_135 : memref<32000x1024xf32, #tpu.memory_space<hbm>>) dst(%arg6 : memref<32x1024xf32, #tpu.memory_space<vmem>>)
    %add3A_136 = arith.constant 320 : i32
    %add3A_137 = arith.addi %mul3A_2, %add3A_136 : i32
    "tpu.region"() ({
      %run_scoped3A = tpu.sem_alloc : memref<!tpu.dma_semaphore, #tpu.memory_space<semaphore_mem>>
      %dma_start3A_193 = arith.constant 0 : i32
      %dma_start3A_194 = tpu.memref_slice %arg4[%add3A_137, %dma_start3A_193] : memref<16384x1024xf32, #tpu.memory_space<hbm>> -> memref<32x1024xf32, #tpu.memory_space<hbm>>
      %dma_start3A_195 = arith.constant 0 : i32
      %dma_start3A_196 = tpu.memref_slice %arg4[%add3A_137, %dma_start3A_195] : memref<16384x1024xf32, #tpu.memory_space<hbm>> -> memref<32x1024xf32, #tpu.memory_space<hbm>>
      tpu.enqueue_dma source(%arg6 : memref<32x1024xf32, #tpu.memory_space<vmem>>) target(%dma_start3A_196 : memref<32x1024xf32, #tpu.memory_space<hbm>>) target_semaphore(%run_scoped3A : memref<!tpu.dma_semaphore, #tpu.memory_space<semaphore_mem>>)
      %dma_wait3A_197 = arith.constant 0 : i32
      %dma_wait3A_198 = tpu.memref_slice %arg4[%add3A_137, %dma_wait3A_197] : memref<16384x1024xf32, #tpu.memory_space<hbm>> -> memref<32x1024xf32, #tpu.memory_space<hbm>>
      %dma_wait3A_199 = arith.constant 0 : i32
      %dma_wait3A_200 = tpu.memref_slice %arg4[%add3A_137, %dma_wait3A_199] : memref<16384x1024xf32, #tpu.memory_space<hbm>> -> memref<32x1024xf32, #tpu.memory_space<hbm>>
      tpu.wait_dma2 semaphore(%run_scoped3A : memref<!tpu.dma_semaphore, #tpu.memory_space<semaphore_mem>>) src(%arg6 : memref<32x1024xf32, #tpu.memory_space<vmem>>) dst(%dma_wait3A_200 : memref<32x1024xf32, #tpu.memory_space<hbm>>)
      tpu.yield
    }) : () -> ()
    %dma_start3A_138 = arith.constant 384 : i32
    %dma_start3A_139 = tpu.memref_slice %arg5[%dma_start3A_138] : memref<512xi32, #tpu.memory_space<vmem>> -> memref<32xi32, #tpu.memory_space<vmem>>
    %dma_start3A_140 = arith.constant 0 : i32
    %dma_start3A_141 = arith.constant 0 : i32
    %dma_start3A_142 = tpu.memref_slice %arg2[%dma_start3A_140, %dma_start3A_141] : memref<32000x1024xf32, #tpu.memory_space<hbm>> -> memref<32000x1024xf32, #tpu.memory_space<hbm>>
    tpu.enqueue_indirect_dma source(%dma_start3A_142 : memref<32000x1024xf32, #tpu.memory_space<hbm>>) target(%arg6 : memref<32x1024xf32, #tpu.memory_space<vmem>>) offsets(%dma_start3A_139 : memref<32xi32, #tpu.memory_space<vmem>>) semaphore(%arg8 : memref<!tpu.dma_semaphore, #tpu.memory_space<semaphore_mem>>)
    %dma_wait3A_143 = arith.constant 352 : i32
    %dma_wait3A_144 = tpu.memref_slice %arg5[%dma_wait3A_143] : memref<512xi32, #tpu.memory_space<vmem>> -> memref<32xi32, #tpu.memory_space<vmem>>
    %dma_wait3A_145 = arith.constant 0 : i32
    %dma_wait3A_146 = arith.constant 0 : i32
    %dma_wait3A_147 = tpu.memref_slice %arg2[%dma_wait3A_145, %dma_wait3A_146] : memref<32000x1024xf32, #tpu.memory_space<hbm>> -> memref<32000x1024xf32, #tpu.memory_space<hbm>>
    tpu.wait_indirect_dma semaphore(%arg9 : memref<!tpu.dma_semaphore, #tpu.memory_space<semaphore_mem>>) src(%dma_wait3A_147 : memref<32000x1024xf32, #tpu.memory_space<hbm>>) dst(%arg7 : memref<32x1024xf32, #tpu.memory_space<vmem>>)
    %add3A_148 = arith.constant 352 : i32
    %add3A_149 = arith.addi %mul3A_2, %add3A_148 : i32
    "tpu.region"() ({
      %run_scoped3A = tpu.sem_alloc : memref<!tpu.dma_semaphore, #tpu.memory_space<semaphore_mem>>
      %dma_start3A_193 = arith.constant 0 : i32
      %dma_start3A_194 = tpu.memref_slice %arg4[%add3A_149, %dma_start3A_193] : memref<16384x1024xf32, #tpu.memory_space<hbm>> -> memref<32x1024xf32, #tpu.memory_space<hbm>>
      %dma_start3A_195 = arith.constant 0 : i32
      %dma_start3A_196 = tpu.memref_slice %arg4[%add3A_149, %dma_start3A_195] : memref<16384x1024xf32, #tpu.memory_space<hbm>> -> memref<32x1024xf32, #tpu.memory_space<hbm>>
      tpu.enqueue_dma source(%arg7 : memref<32x1024xf32, #tpu.memory_space<vmem>>) target(%dma_start3A_196 : memref<32x1024xf32, #tpu.memory_space<hbm>>) target_semaphore(%run_scoped3A : memref<!tpu.dma_semaphore, #tpu.memory_space<semaphore_mem>>)
      %dma_wait3A_197 = arith.constant 0 : i32
      %dma_wait3A_198 = tpu.memref_slice %arg4[%add3A_149, %dma_wait3A_197] : memref<16384x1024xf32, #tpu.memory_space<hbm>> -> memref<32x1024xf32, #tpu.memory_space<hbm>>
      %dma_wait3A_199 = arith.constant 0 : i32
      %dma_wait3A_200 = tpu.memref_slice %arg4[%add3A_149, %dma_wait3A_199] : memref<16384x1024xf32, #tpu.memory_space<hbm>> -> memref<32x1024xf32, #tpu.memory_space<hbm>>
      tpu.wait_dma2 semaphore(%run_scoped3A : memref<!tpu.dma_semaphore, #tpu.memory_space<semaphore_mem>>) src(%arg7 : memref<32x1024xf32, #tpu.memory_space<vmem>>) dst(%dma_wait3A_200 : memref<32x1024xf32, #tpu.memory_space<hbm>>)
      tpu.yield
    }) : () -> ()
    %dma_start3A_150 = arith.constant 416 : i32
    %dma_start3A_151 = tpu.memref_slice %arg5[%dma_start3A_150] : memref<512xi32, #tpu.memory_space<vmem>> -> memref<32xi32, #tpu.memory_space<vmem>>
    %dma_start3A_152 = arith.constant 0 : i32
    %dma_start3A_153 = arith.constant 0 : i32
    %dma_start3A_154 = tpu.memref_slice %arg2[%dma_start3A_152, %dma_start3A_153] : memref<32000x1024xf32, #tpu.memory_space<hbm>> -> memref<32000x1024xf32, #tpu.memory_space<hbm>>
    tpu.enqueue_indirect_dma source(%dma_start3A_154 : memref<32000x1024xf32, #tpu.memory_space<hbm>>) target(%arg7 : memref<32x1024xf32, #tpu.memory_space<vmem>>) offsets(%dma_start3A_151 : memref<32xi32, #tpu.memory_space<vmem>>) semaphore(%arg9 : memref<!tpu.dma_semaphore, #tpu.memory_space<semaphore_mem>>)
    %dma_wait3A_155 = arith.constant 384 : i32
    %dma_wait3A_156 = tpu.memref_slice %arg5[%dma_wait3A_155] : memref<512xi32, #tpu.memory_space<vmem>> -> memref<32xi32, #tpu.memory_space<vmem>>
    %dma_wait3A_157 = arith.constant 0 : i32
    %dma_wait3A_158 = arith.constant 0 : i32
    %dma_wait3A_159 = tpu.memref_slice %arg2[%dma_wait3A_157, %dma_wait3A_158] : memref<32000x1024xf32, #tpu.memory_space<hbm>> -> memref<32000x1024xf32, #tpu.memory_space<hbm>>
    tpu.wait_indirect_dma semaphore(%arg8 : memref<!tpu.dma_semaphore, #tpu.memory_space<semaphore_mem>>) src(%dma_wait3A_159 : memref<32000x1024xf32, #tpu.memory_space<hbm>>) dst(%arg6 : memref<32x1024xf32, #tpu.memory_space<vmem>>)
    %add3A_160 = arith.constant 384 : i32
    %add3A_161 = arith.addi %mul3A_2, %add3A_160 : i32
    "tpu.region"() ({
      %run_scoped3A = tpu.sem_alloc : memref<!tpu.dma_semaphore, #tpu.memory_space<semaphore_mem>>
      %dma_start3A_193 = arith.constant 0 : i32
      %dma_start3A_194 = tpu.memref_slice %arg4[%add3A_161, %dma_start3A_193] : memref<16384x1024xf32, #tpu.memory_space<hbm>> -> memref<32x1024xf32, #tpu.memory_space<hbm>>
      %dma_start3A_195 = arith.constant 0 : i32
      %dma_start3A_196 = tpu.memref_slice %arg4[%add3A_161, %dma_start3A_195] : memref<16384x1024xf32, #tpu.memory_space<hbm>> -> memref<32x1024xf32, #tpu.memory_space<hbm>>
      tpu.enqueue_dma source(%arg6 : memref<32x1024xf32, #tpu.memory_space<vmem>>) target(%dma_start3A_196 : memref<32x1024xf32, #tpu.memory_space<hbm>>) target_semaphore(%run_scoped3A : memref<!tpu.dma_semaphore, #tpu.memory_space<semaphore_mem>>)
      %dma_wait3A_197 = arith.constant 0 : i32
      %dma_wait3A_198 = tpu.memref_slice %arg4[%add3A_161, %dma_wait3A_197] : memref<16384x1024xf32, #tpu.memory_space<hbm>> -> memref<32x1024xf32, #tpu.memory_space<hbm>>
      %dma_wait3A_199 = arith.constant 0 : i32
      %dma_wait3A_200 = tpu.memref_slice %arg4[%add3A_161, %dma_wait3A_199] : memref<16384x1024xf32, #tpu.memory_space<hbm>> -> memref<32x1024xf32, #tpu.memory_space<hbm>>
      tpu.wait_dma2 semaphore(%run_scoped3A : memref<!tpu.dma_semaphore, #tpu.memory_space<semaphore_mem>>) src(%arg6 : memref<32x1024xf32, #tpu.memory_space<vmem>>) dst(%dma_wait3A_200 : memref<32x1024xf32, #tpu.memory_space<hbm>>)
      tpu.yield
    }) : () -> ()
    %dma_start3A_162 = arith.constant 448 : i32
    %dma_start3A_163 = tpu.memref_slice %arg5[%dma_start3A_162] : memref<512xi32, #tpu.memory_space<vmem>> -> memref<32xi32, #tpu.memory_space<vmem>>
    %dma_start3A_164 = arith.constant 0 : i32
    %dma_start3A_165 = arith.constant 0 : i32
    %dma_start3A_166 = tpu.memref_slice %arg2[%dma_start3A_164, %dma_start3A_165] : memref<32000x1024xf32, #tpu.memory_space<hbm>> -> memref<32000x1024xf32, #tpu.memory_space<hbm>>
    tpu.enqueue_indirect_dma source(%dma_start3A_166 : memref<32000x1024xf32, #tpu.memory_space<hbm>>) target(%arg6 : memref<32x1024xf32, #tpu.memory_space<vmem>>) offsets(%dma_start3A_163 : memref<32xi32, #tpu.memory_space<vmem>>) semaphore(%arg8 : memref<!tpu.dma_semaphore, #tpu.memory_space<semaphore_mem>>)
    %dma_wait3A_167 = arith.constant 416 : i32
    %dma_wait3A_168 = tpu.memref_slice %arg5[%dma_wait3A_167] : memref<512xi32, #tpu.memory_space<vmem>> -> memref<32xi32, #tpu.memory_space<vmem>>
    %dma_wait3A_169 = arith.constant 0 : i32
    %dma_wait3A_170 = arith.constant 0 : i32
    %dma_wait3A_171 = tpu.memref_slice %arg2[%dma_wait3A_169, %dma_wait3A_170] : memref<32000x1024xf32, #tpu.memory_space<hbm>> -> memref<32000x1024xf32, #tpu.memory_space<hbm>>
    tpu.wait_indirect_dma semaphore(%arg9 : memref<!tpu.dma_semaphore, #tpu.memory_space<semaphore_mem>>) src(%dma_wait3A_171 : memref<32000x1024xf32, #tpu.memory_space<hbm>>) dst(%arg7 : memref<32x1024xf32, #tpu.memory_space<vmem>>)
    %add3A_172 = arith.constant 416 : i32
    %add3A_173 = arith.addi %mul3A_2, %add3A_172 : i32
    "tpu.region"() ({
      %run_scoped3A = tpu.sem_alloc : memref<!tpu.dma_semaphore, #tpu.memory_space<semaphore_mem>>
      %dma_start3A_193 = arith.constant 0 : i32
      %dma_start3A_194 = tpu.memref_slice %arg4[%add3A_173, %dma_start3A_193] : memref<16384x1024xf32, #tpu.memory_space<hbm>> -> memref<32x1024xf32, #tpu.memory_space<hbm>>
      %dma_start3A_195 = arith.constant 0 : i32
      %dma_start3A_196 = tpu.memref_slice %arg4[%add3A_173, %dma_start3A_195] : memref<16384x1024xf32, #tpu.memory_space<hbm>> -> memref<32x1024xf32, #tpu.memory_space<hbm>>
      tpu.enqueue_dma source(%arg7 : memref<32x1024xf32, #tpu.memory_space<vmem>>) target(%dma_start3A_196 : memref<32x1024xf32, #tpu.memory_space<hbm>>) target_semaphore(%run_scoped3A : memref<!tpu.dma_semaphore, #tpu.memory_space<semaphore_mem>>)
      %dma_wait3A_197 = arith.constant 0 : i32
      %dma_wait3A_198 = tpu.memref_slice %arg4[%add3A_173, %dma_wait3A_197] : memref<16384x1024xf32, #tpu.memory_space<hbm>> -> memref<32x1024xf32, #tpu.memory_space<hbm>>
      %dma_wait3A_199 = arith.constant 0 : i32
      %dma_wait3A_200 = tpu.memref_slice %arg4[%add3A_173, %dma_wait3A_199] : memref<16384x1024xf32, #tpu.memory_space<hbm>> -> memref<32x1024xf32, #tpu.memory_space<hbm>>
      tpu.wait_dma2 semaphore(%run_scoped3A : memref<!tpu.dma_semaphore, #tpu.memory_space<semaphore_mem>>) src(%arg7 : memref<32x1024xf32, #tpu.memory_space<vmem>>) dst(%dma_wait3A_200 : memref<32x1024xf32, #tpu.memory_space<hbm>>)
      tpu.yield
    }) : () -> ()
    %dma_start3A_174 = arith.constant 480 : i32
    %dma_start3A_175 = tpu.memref_slice %arg5[%dma_start3A_174] : memref<512xi32, #tpu.memory_space<vmem>> -> memref<32xi32, #tpu.memory_space<vmem>>
    %dma_start3A_176 = arith.constant 0 : i32
    %dma_start3A_177 = arith.constant 0 : i32
    %dma_start3A_178 = tpu.memref_slice %arg2[%dma_start3A_176, %dma_start3A_177] : memref<32000x1024xf32, #tpu.memory_space<hbm>> -> memref<32000x1024xf32, #tpu.memory_space<hbm>>
    tpu.enqueue_indirect_dma source(%dma_start3A_178 : memref<32000x1024xf32, #tpu.memory_space<hbm>>) target(%arg7 : memref<32x1024xf32, #tpu.memory_space<vmem>>) offsets(%dma_start3A_175 : memref<32xi32, #tpu.memory_space<vmem>>) semaphore(%arg9 : memref<!tpu.dma_semaphore, #tpu.memory_space<semaphore_mem>>)
    %dma_wait3A_179 = arith.constant 448 : i32
    %dma_wait3A_180 = tpu.memref_slice %arg5[%dma_wait3A_179] : memref<512xi32, #tpu.memory_space<vmem>> -> memref<32xi32, #tpu.memory_space<vmem>>
    %dma_wait3A_181 = arith.constant 0 : i32
    %dma_wait3A_182 = arith.constant 0 : i32
    %dma_wait3A_183 = tpu.memref_slice %arg2[%dma_wait3A_181, %dma_wait3A_182] : memref<32000x1024xf32, #tpu.memory_space<hbm>> -> memref<32000x1024xf32, #tpu.memory_space<hbm>>
    tpu.wait_indirect_dma semaphore(%arg8 : memref<!tpu.dma_semaphore, #tpu.memory_space<semaphore_mem>>) src(%dma_wait3A_183 : memref<32000x1024xf32, #tpu.memory_space<hbm>>) dst(%arg6 : memref<32x1024xf32, #tpu.memory_space<vmem>>)
    %add3A_184 = arith.constant 448 : i32
    %add3A_185 = arith.addi %mul3A_2, %add3A_184 : i32
    "tpu.region"() ({
      %run_scoped3A = tpu.sem_alloc : memref<!tpu.dma_semaphore, #tpu.memory_space<semaphore_mem>>
      %dma_start3A_193 = arith.constant 0 : i32
      %dma_start3A_194 = tpu.memref_slice %arg4[%add3A_185, %dma_start3A_193] : memref<16384x1024xf32, #tpu.memory_space<hbm>> -> memref<32x1024xf32, #tpu.memory_space<hbm>>
      %dma_start3A_195 = arith.constant 0 : i32
      %dma_start3A_196 = tpu.memref_slice %arg4[%add3A_185, %dma_start3A_195] : memref<16384x1024xf32, #tpu.memory_space<hbm>> -> memref<32x1024xf32, #tpu.memory_space<hbm>>
      tpu.enqueue_dma source(%arg6 : memref<32x1024xf32, #tpu.memory_space<vmem>>) target(%dma_start3A_196 : memref<32x1024xf32, #tpu.memory_space<hbm>>) target_semaphore(%run_scoped3A : memref<!tpu.dma_semaphore, #tpu.memory_space<semaphore_mem>>)
      %dma_wait3A_197 = arith.constant 0 : i32
      %dma_wait3A_198 = tpu.memref_slice %arg4[%add3A_185, %dma_wait3A_197] : memref<16384x1024xf32, #tpu.memory_space<hbm>> -> memref<32x1024xf32, #tpu.memory_space<hbm>>
      %dma_wait3A_199 = arith.constant 0 : i32
      %dma_wait3A_200 = tpu.memref_slice %arg4[%add3A_185, %dma_wait3A_199] : memref<16384x1024xf32, #tpu.memory_space<hbm>> -> memref<32x1024xf32, #tpu.memory_space<hbm>>
      tpu.wait_dma2 semaphore(%run_scoped3A : memref<!tpu.dma_semaphore, #tpu.memory_space<semaphore_mem>>) src(%arg6 : memref<32x1024xf32, #tpu.memory_space<vmem>>) dst(%dma_wait3A_200 : memref<32x1024xf32, #tpu.memory_space<hbm>>)
      tpu.yield
    }) : () -> ()
    %dma_wait3A_186 = arith.constant 480 : i32
    %dma_wait3A_187 = tpu.memref_slice %arg5[%dma_wait3A_186] : memref<512xi32, #tpu.memory_space<vmem>> -> memref<32xi32, #tpu.memory_space<vmem>>
    %dma_wait3A_188 = arith.constant 0 : i32
    %dma_wait3A_189 = arith.constant 0 : i32
    %dma_wait3A_190 = tpu.memref_slice %arg2[%dma_wait3A_188, %dma_wait3A_189] : memref<32000x1024xf32, #tpu.memory_space<hbm>> -> memref<32000x1024xf32, #tpu.memory_space<hbm>>
    tpu.wait_indirect_dma semaphore(%arg9 : memref<!tpu.dma_semaphore, #tpu.memory_space<semaphore_mem>>) src(%dma_wait3A_190 : memref<32000x1024xf32, #tpu.memory_space<hbm>>) dst(%arg7 : memref<32x1024xf32, #tpu.memory_space<vmem>>)
    %add3A_191 = arith.constant 480 : i32
    %add3A_192 = arith.addi %mul3A_2, %add3A_191 : i32
    "tpu.region"() ({
      %run_scoped3A = tpu.sem_alloc : memref<!tpu.dma_semaphore, #tpu.memory_space<semaphore_mem>>
      %dma_start3A_193 = arith.constant 0 : i32
      %dma_start3A_194 = tpu.memref_slice %arg4[%add3A_192, %dma_start3A_193] : memref<16384x1024xf32, #tpu.memory_space<hbm>> -> memref<32x1024xf32, #tpu.memory_space<hbm>>
      %dma_start3A_195 = arith.constant 0 : i32
      %dma_start3A_196 = tpu.memref_slice %arg4[%add3A_192, %dma_start3A_195] : memref<16384x1024xf32, #tpu.memory_space<hbm>> -> memref<32x1024xf32, #tpu.memory_space<hbm>>
      tpu.enqueue_dma source(%arg7 : memref<32x1024xf32, #tpu.memory_space<vmem>>) target(%dma_start3A_196 : memref<32x1024xf32, #tpu.memory_space<hbm>>) target_semaphore(%run_scoped3A : memref<!tpu.dma_semaphore, #tpu.memory_space<semaphore_mem>>)
      %dma_wait3A_197 = arith.constant 0 : i32
      %dma_wait3A_198 = tpu.memref_slice %arg4[%add3A_192, %dma_wait3A_197] : memref<16384x1024xf32, #tpu.memory_space<hbm>> -> memref<32x1024xf32, #tpu.memory_space<hbm>>
      %dma_wait3A_199 = arith.constant 0 : i32
      %dma_wait3A_200 = tpu.memref_slice %arg4[%add3A_192, %dma_wait3A_199] : memref<16384x1024xf32, #tpu.memory_space<hbm>> -> memref<32x1024xf32, #tpu.memory_space<hbm>>
      tpu.wait_dma2 semaphore(%run_scoped3A : memref<!tpu.dma_semaphore, #tpu.memory_space<semaphore_mem>>) src(%arg7 : memref<32x1024xf32, #tpu.memory_space<vmem>>) dst(%dma_wait3A_200 : memref<32x1024xf32, #tpu.memory_space<hbm>>)
      tpu.yield
    }) : () -> ()
    return
  }
}

module attributes {stable_mosaic.version = 14 : i64} {
  func.func @_lstm_body(%arg0: i32, %arg1: memref<128x8x1024xf32, #tpu.memory_space<vmem>>, %arg2: memref<1024x4096xbf16, #tpu.memory_space<vmem>>, %arg3: memref<1024x4096xbf16, #tpu.memory_space<vmem>>, %arg4: memref<8x4096xf32, #tpu.memory_space<vmem>>, %arg5: memref<4x128x1024xf32, #tpu.memory_space<vmem>>, %arg6: memref<128x8x4096xf32, #tpu.memory_space<vmem>>, %arg7: memref<8x1024xf32, #tpu.memory_space<vmem>>, %arg8: memref<8x1024xf32, #tpu.memory_space<vmem>>) attributes {dimension_semantics = [#tpu.dimension_semantics<arbitrary>], iteration_bounds = array<i64: 16>, scalar_prefetch = 0 : i64, scratch_operands = 3 : i64, tpu.core_type = #tpu.core_type<tc>, window_params = [{transform_indices = @transform_0, window_bounds = array<i64: 128, 8, 1024>}, {pipeline_mode = #tpu.pipeline_mode<synchronous>, transform_indices = @transform_1, window_bounds = array<i64: 1024, 4096>}, {pipeline_mode = #tpu.pipeline_mode<synchronous>, transform_indices = @transform_2, window_bounds = array<i64: 1024, 4096>}, {pipeline_mode = #tpu.pipeline_mode<synchronous>, transform_indices = @transform_3, window_bounds = array<i64: 8, 4096>}, {transform_indices = @transform_4, window_bounds = array<i64: 4, 128, 1024>}]} {
    %eq3A = arith.constant 0 : i32
    %eq3A_0 = arith.cmpi eq, %arg0, %eq3A : i32
    %convert_element_type3A = arith.extui %eq3A_0 : i1 to i32
    %cond3A = arith.constant 0 : i32
    %cond3A_1 = arith.cmpi ne, %convert_element_type3A, %cond3A : i32
    scf.if %cond3A_1 {
      %broadcast_in_dim3A_35 = arith.constant 0.000000e+00 : f32
      %broadcast_in_dim3A_36 = vector.broadcast %broadcast_in_dim3A_35 : f32 to vector<8x1024xf32>
      %swap3A_37 = arith.constant 0 : index
      %swap3A_38 = arith.constant 0 : index
      %swap3A_39 = vector.load %arg7[%swap3A_37, %swap3A_38] : memref<8x1024xf32, #tpu.memory_space<vmem>>, vector<8x1024xf32>
      tpu.vector_store %arg7[%swap3A_37, %swap3A_38], %broadcast_in_dim3A_36 {strides = array<i32>} : memref<8x1024xf32, #tpu.memory_space<vmem>>, vector<8x1024xf32>,
      %broadcast_in_dim3A_40 = arith.constant 0.000000e+00 : f32
      %broadcast_in_dim3A_41 = vector.broadcast %broadcast_in_dim3A_40 : f32 to vector<8x1024xf32>
      %swap3A_42 = arith.constant 0 : index
      %swap3A_43 = arith.constant 0 : index
      %swap3A_44 = vector.load %arg8[%swap3A_42, %swap3A_43] : memref<8x1024xf32, #tpu.memory_space<vmem>>, vector<8x1024xf32>
      tpu.vector_store %arg8[%swap3A_42, %swap3A_43], %broadcast_in_dim3A_41 {strides = array<i32>} : memref<8x1024xf32, #tpu.memory_space<vmem>>, vector<8x1024xf32>,
    } else {
    }
    %get3A = arith.constant 0 : index
    %get3A_2 = arith.constant 0 : index
    %get3A_3 = arith.constant 0 : index
    %get3A_4 = vector.load %arg1[%get3A, %get3A_2, %get3A_3] : memref<128x8x1024xf32, #tpu.memory_space<vmem>>, vector<128x8x1024xf32>
    %reshape3A = vector.shape_cast %get3A_4 : vector<128x8x1024xf32> to vector<1024x1024xf32>
    %convert_element_type3A_5 = arith.truncf %reshape3A : vector<1024x1024xf32> to vector<1024x1024xbf16>
    %get3A_6 = arith.constant 0 : index
    %get3A_7 = arith.constant 0 : index
    %get3A_8 = vector.load %arg2[%get3A_6, %get3A_7] : memref<1024x4096xbf16, #tpu.memory_space<vmem>>, vector<1024x4096xbf16>
    %dot_general3A = arith.constant dense<0.000000e+00> : vector<1024x4096xf32>
    %dot_general3A_9 = tpu.matmul %convert_element_type3A_5, %get3A_8, %dot_general3A {dimension_numbers = #tpu.dot_dimension_numbers<[1], [0], [0], [1], [0, 0, 1, 1], [], []>, transpose_lhs_hint = false} : vector<1024x1024xbf16>, vector<1024x4096xbf16>, vector<1024x4096xf32> -> vector<1024x4096xf32>
    %reshape3A_10 = vector.shape_cast %dot_general3A_9 : vector<1024x4096xf32> to vector<128x8x4096xf32>
    %get3A_11 = arith.constant 0 : index
    %get3A_12 = arith.constant 0 : index
    %get3A_13 = vector.load %arg4[%get3A_11, %get3A_12] : memref<8x4096xf32, #tpu.memory_space<vmem>>, vector<8x4096xf32>
    %broadcast_in_dim3A = vector.shape_cast %get3A_13 : vector<8x4096xf32> to vector<1x8x4096xf32>
    %add3A = vector.broadcast %broadcast_in_dim3A : vector<1x8x4096xf32> to vector<128x8x4096xf32>
    %add3A_14 = arith.addf %reshape3A_10, %add3A : vector<128x8x4096xf32>
    %swap3A = arith.constant 0 : index
    %swap3A_15 = arith.constant 0 : index
    %swap3A_16 = arith.constant 0 : index
    %swap3A_17 = vector.load %arg6[%swap3A, %swap3A_15, %swap3A_16] : memref<128x8x4096xf32, #tpu.memory_space<vmem>>, vector<128x8x4096xf32>
    tpu.vector_store %arg6[%swap3A, %swap3A_15, %swap3A_16], %add3A_14 {strides = array<i32>} : memref<128x8x4096xf32, #tpu.memory_space<vmem>>, vector<128x8x4096xf32>,
    %get3A_18 = arith.constant 0 : index
    %get3A_19 = arith.constant 0 : index
    %get3A_20 = vector.load %arg7[%get3A_18, %get3A_19] : memref<8x1024xf32, #tpu.memory_space<vmem>>, vector<8x1024xf32>
    %get3A_21 = arith.constant 0 : index
    %get3A_22 = arith.constant 0 : index
    %get3A_23 = vector.load %arg8[%get3A_21, %get3A_22] : memref<8x1024xf32, #tpu.memory_space<vmem>>, vector<8x1024xf32>
    %scan3A = arith.constant 0 : i32
    %scan3A_24 = arith.constant 32 : i32
    %scan3A_25 = arith.addi %scan3A, %scan3A_24 : i32
    %scan3A_26 = arith.constant 1 : i32
    %scan3A_27:2 = scf.for %scan3A_35 = %scan3A to %scan3A_25 step %scan3A_26 iter_args(%scan3A_36 = %get3A_20, %scan3A_37 = %get3A_23) -> (vector<8x1024xf32>, vector<8x1024xf32>)  : i32 {
      %mul3A = arith.constant 4 : i32
      %mul3A_38 = arith.muli %mul3A, %scan3A_35 : i32
      %add3A_39 = arith.constant 0 : i32
      %add3A_40 = arith.addi %mul3A_38, %add3A_39 : i32
      %get3A_41 = arith.index_cast %add3A_40 : i32 to index
      %get3A_42 = arith.constant 0 : index
      %get3A_43 = arith.constant 0 : index
      %get3A_44 = vector.load %arg6[%get3A_41, %get3A_42, %get3A_43] : memref<128x8x4096xf32, #tpu.memory_space<vmem>>, vector<1x8x4096xf32>
      %get3A_45 = vector.shape_cast %get3A_44 : vector<1x8x4096xf32> to vector<8x4096xf32>
      %convert_element_type3A_46 = arith.truncf %scan3A_36 : vector<8x1024xf32> to vector<8x1024xbf16>
      %get3A_47 = arith.constant 0 : index
      %get3A_48 = arith.constant 0 : index
      %get3A_49 = vector.load %arg3[%get3A_47, %get3A_48] : memref<1024x4096xbf16, #tpu.memory_space<vmem>>, vector<1024x4096xbf16>
      %dot_general3A_50 = arith.constant dense<0.000000e+00> : vector<8x4096xf32>
      %dot_general3A_51 = tpu.matmul %convert_element_type3A_46, %get3A_49, %dot_general3A_50 {dimension_numbers = #tpu.dot_dimension_numbers<[1], [0], [0], [1], [0, 0, 1, 1], [], []>, transpose_lhs_hint = false} : vector<8x1024xbf16>, vector<1024x4096xbf16>, vector<8x4096xf32> -> vector<8x4096xf32>
      %add3A_52 = arith.addf %get3A_45, %dot_general3A_51 : vector<8x4096xf32>
      %slice3A = vector.extract_strided_slice %add3A_52 {offsets = [0, 0], sizes = [8, 1024], strides = [1, 1]} : vector<8x4096xf32> to vector<8x1024xf32>
      %mul3A_53 = arith.constant 5.000000e-01 : f32
      %mul3A_54 = vector.broadcast %mul3A_53 : f32 to vector<8x1024xf32>
      %mul3A_55 = arith.mulf %mul3A_54, %slice3A : vector<8x1024xf32>
      %tanh3A = math.tanh %mul3A_55 : vector<8x1024xf32>
      %add3A_56 = arith.constant 1.000000e+00 : f32
      %add3A_57 = vector.broadcast %add3A_56 : f32 to vector<8x1024xf32>
      %add3A_58 = arith.addf %add3A_57, %tanh3A : vector<8x1024xf32>
      %mul3A_59 = arith.constant 5.000000e-01 : f32
      %mul3A_60 = vector.broadcast %mul3A_59 : f32 to vector<8x1024xf32>
      %mul3A_61 = arith.mulf %mul3A_60, %add3A_58 : vector<8x1024xf32>
      %slice3A_62 = vector.extract_strided_slice %add3A_52 {offsets = [0, 1024], sizes = [8, 1024], strides = [1, 1]} : vector<8x4096xf32> to vector<8x1024xf32>
      %mul3A_63 = arith.constant 5.000000e-01 : f32
      %mul3A_64 = vector.broadcast %mul3A_63 : f32 to vector<8x1024xf32>
      %mul3A_65 = arith.mulf %mul3A_64, %slice3A_62 : vector<8x1024xf32>
      %tanh3A_66 = math.tanh %mul3A_65 : vector<8x1024xf32>
      %add3A_67 = arith.constant 1.000000e+00 : f32
      %add3A_68 = vector.broadcast %add3A_67 : f32 to vector<8x1024xf32>
      %add3A_69 = arith.addf %add3A_68, %tanh3A_66 : vector<8x1024xf32>
      %mul3A_70 = arith.constant 5.000000e-01 : f32
      %mul3A_71 = vector.broadcast %mul3A_70 : f32 to vector<8x1024xf32>
      %mul3A_72 = arith.mulf %mul3A_71, %add3A_69 : vector<8x1024xf32>
      %slice3A_73 = vector.extract_strided_slice %add3A_52 {offsets = [0, 2048], sizes = [8, 1024], strides = [1, 1]} : vector<8x4096xf32> to vector<8x1024xf32>
      %tanh3A_74 = math.tanh %slice3A_73 : vector<8x1024xf32>
      %slice3A_75 = vector.extract_strided_slice %add3A_52 {offsets = [0, 3072], sizes = [8, 1024], strides = [1, 1]} : vector<8x4096xf32> to vector<8x1024xf32>
      %mul3A_76 = arith.constant 5.000000e-01 : f32
      %mul3A_77 = vector.broadcast %mul3A_76 : f32 to vector<8x1024xf32>
      %mul3A_78 = arith.mulf %mul3A_77, %slice3A_75 : vector<8x1024xf32>
      %tanh3A_79 = math.tanh %mul3A_78 : vector<8x1024xf32>
      %add3A_80 = arith.constant 1.000000e+00 : f32
      %add3A_81 = vector.broadcast %add3A_80 : f32 to vector<8x1024xf32>
      %add3A_82 = arith.addf %add3A_81, %tanh3A_79 : vector<8x1024xf32>
      %mul3A_83 = arith.constant 5.000000e-01 : f32
      %mul3A_84 = vector.broadcast %mul3A_83 : f32 to vector<8x1024xf32>
      %mul3A_85 = arith.mulf %mul3A_84, %add3A_82 : vector<8x1024xf32>
      %mul3A_86 = arith.mulf %mul3A_72, %scan3A_37 : vector<8x1024xf32>
      %mul3A_87 = arith.mulf %mul3A_61, %tanh3A_74 : vector<8x1024xf32>
      %add3A_88 = arith.addf %mul3A_86, %mul3A_87 : vector<8x1024xf32>
      %tanh3A_89 = math.tanh %add3A_88 : vector<8x1024xf32>
      %mul3A_90 = arith.mulf %mul3A_85, %tanh3A_89 : vector<8x1024xf32>
      %slice3A_91 = vector.extract_strided_slice %mul3A_90 {offsets = [0, 0], sizes = [4, 1024], strides = [1, 1]} : vector<8x1024xf32> to vector<4x1024xf32>
      %swap3A_92 = arith.constant 0 : index
      %swap3A_93 = arith.index_cast %add3A_40 : i32 to index
      %swap3A_94 = arith.constant 0 : index
      %swap3A_95 = vector.load %arg5[%swap3A_92, %swap3A_93, %swap3A_94] : memref<4x128x1024xf32, #tpu.memory_space<vmem>>, vector<4x1x1024xf32>
      %swap3A_96 = vector.shape_cast %swap3A_95 : vector<4x1x1024xf32> to vector<4x1024xf32>
      %swap3A_97 = vector.shape_cast %slice3A_91 : vector<4x1024xf32> to vector<4x1x1024xf32>
      tpu.vector_store %arg5[%swap3A_92, %swap3A_93, %swap3A_94], %swap3A_97 {strides = array<i32>} : memref<4x128x1024xf32, #tpu.memory_space<vmem>>, vector<4x1x1024xf32>,
      %mul3A_98 = arith.constant 4 : i32
      %mul3A_99 = arith.muli %mul3A_98, %scan3A_35 : i32
      %add3A_100 = arith.constant 1 : i32
      %add3A_101 = arith.addi %mul3A_99, %add3A_100 : i32
      %get3A_102 = arith.index_cast %add3A_101 : i32 to index
      %get3A_103 = arith.constant 0 : index
      %get3A_104 = arith.constant 0 : index
      %get3A_105 = vector.load %arg6[%get3A_102, %get3A_103, %get3A_104] : memref<128x8x4096xf32, #tpu.memory_space<vmem>>, vector<1x8x4096xf32>
      %get3A_106 = vector.shape_cast %get3A_105 : vector<1x8x4096xf32> to vector<8x4096xf32>
      %convert_element_type3A_107 = arith.truncf %mul3A_90 : vector<8x1024xf32> to vector<8x1024xbf16>
      %get3A_108 = arith.constant 0 : index
      %get3A_109 = arith.constant 0 : index
      %get3A_110 = vector.load %arg3[%get3A_108, %get3A_109] : memref<1024x4096xbf16, #tpu.memory_space<vmem>>, vector<1024x4096xbf16>
      %dot_general3A_111 = arith.constant dense<0.000000e+00> : vector<8x4096xf32>
      %dot_general3A_112 = tpu.matmul %convert_element_type3A_107, %get3A_110, %dot_general3A_111 {dimension_numbers = #tpu.dot_dimension_numbers<[1], [0], [0], [1], [0, 0, 1, 1], [], []>, transpose_lhs_hint = false} : vector<8x1024xbf16>, vector<1024x4096xbf16>, vector<8x4096xf32> -> vector<8x4096xf32>
      %add3A_113 = arith.addf %get3A_106, %dot_general3A_112 : vector<8x4096xf32>
      %slice3A_114 = vector.extract_strided_slice %add3A_113 {offsets = [0, 0], sizes = [8, 1024], strides = [1, 1]} : vector<8x4096xf32> to vector<8x1024xf32>
      %mul3A_115 = arith.constant 5.000000e-01 : f32
      %mul3A_116 = vector.broadcast %mul3A_115 : f32 to vector<8x1024xf32>
      %mul3A_117 = arith.mulf %mul3A_116, %slice3A_114 : vector<8x1024xf32>
      %tanh3A_118 = math.tanh %mul3A_117 : vector<8x1024xf32>
      %add3A_119 = arith.constant 1.000000e+00 : f32
      %add3A_120 = vector.broadcast %add3A_119 : f32 to vector<8x1024xf32>
      %add3A_121 = arith.addf %add3A_120, %tanh3A_118 : vector<8x1024xf32>
      %mul3A_122 = arith.constant 5.000000e-01 : f32
      %mul3A_123 = vector.broadcast %mul3A_122 : f32 to vector<8x1024xf32>
      %mul3A_124 = arith.mulf %mul3A_123, %add3A_121 : vector<8x1024xf32>
      %slice3A_125 = vector.extract_strided_slice %add3A_113 {offsets = [0, 1024], sizes = [8, 1024], strides = [1, 1]} : vector<8x4096xf32> to vector<8x1024xf32>
      %mul3A_126 = arith.constant 5.000000e-01 : f32
      %mul3A_127 = vector.broadcast %mul3A_126 : f32 to vector<8x1024xf32>
      %mul3A_128 = arith.mulf %mul3A_127, %slice3A_125 : vector<8x1024xf32>
      %tanh3A_129 = math.tanh %mul3A_128 : vector<8x1024xf32>
      %add3A_130 = arith.constant 1.000000e+00 : f32
      %add3A_131 = vector.broadcast %add3A_130 : f32 to vector<8x1024xf32>
      %add3A_132 = arith.addf %add3A_131, %tanh3A_129 : vector<8x1024xf32>
      %mul3A_133 = arith.constant 5.000000e-01 : f32
      %mul3A_134 = vector.broadcast %mul3A_133 : f32 to vector<8x1024xf32>
      %mul3A_135 = arith.mulf %mul3A_134, %add3A_132 : vector<8x1024xf32>
      %slice3A_136 = vector.extract_strided_slice %add3A_113 {offsets = [0, 2048], sizes = [8, 1024], strides = [1, 1]} : vector<8x4096xf32> to vector<8x1024xf32>
      %tanh3A_137 = math.tanh %slice3A_136 : vector<8x1024xf32>
      %slice3A_138 = vector.extract_strided_slice %add3A_113 {offsets = [0, 3072], sizes = [8, 1024], strides = [1, 1]} : vector<8x4096xf32> to vector<8x1024xf32>
      %mul3A_139 = arith.constant 5.000000e-01 : f32
      %mul3A_140 = vector.broadcast %mul3A_139 : f32 to vector<8x1024xf32>
      %mul3A_141 = arith.mulf %mul3A_140, %slice3A_138 : vector<8x1024xf32>
      %tanh3A_142 = math.tanh %mul3A_141 : vector<8x1024xf32>
      %add3A_143 = arith.constant 1.000000e+00 : f32
      %add3A_144 = vector.broadcast %add3A_143 : f32 to vector<8x1024xf32>
      %add3A_145 = arith.addf %add3A_144, %tanh3A_142 : vector<8x1024xf32>
      %mul3A_146 = arith.constant 5.000000e-01 : f32
      %mul3A_147 = vector.broadcast %mul3A_146 : f32 to vector<8x1024xf32>
      %mul3A_148 = arith.mulf %mul3A_147, %add3A_145 : vector<8x1024xf32>
      %mul3A_149 = arith.mulf %mul3A_135, %add3A_88 : vector<8x1024xf32>
      %mul3A_150 = arith.mulf %mul3A_124, %tanh3A_137 : vector<8x1024xf32>
      %add3A_151 = arith.addf %mul3A_149, %mul3A_150 : vector<8x1024xf32>
      %tanh3A_152 = math.tanh %add3A_151 : vector<8x1024xf32>
      %mul3A_153 = arith.mulf %mul3A_148, %tanh3A_152 : vector<8x1024xf32>
      %slice3A_154 = vector.extract_strided_slice %mul3A_153 {offsets = [0, 0], sizes = [4, 1024], strides = [1, 1]} : vector<8x1024xf32> to vector<4x1024xf32>
      %swap3A_155 = arith.constant 0 : index
      %swap3A_156 = arith.index_cast %add3A_101 : i32 to index
      %swap3A_157 = arith.constant 0 : index
      %swap3A_158 = vector.load %arg5[%swap3A_155, %swap3A_156, %swap3A_157] : memref<4x128x1024xf32, #tpu.memory_space<vmem>>, vector<4x1x1024xf32>
      %swap3A_159 = vector.shape_cast %swap3A_158 : vector<4x1x1024xf32> to vector<4x1024xf32>
      %swap3A_160 = vector.shape_cast %slice3A_154 : vector<4x1024xf32> to vector<4x1x1024xf32>
      tpu.vector_store %arg5[%swap3A_155, %swap3A_156, %swap3A_157], %swap3A_160 {strides = array<i32>} : memref<4x128x1024xf32, #tpu.memory_space<vmem>>, vector<4x1x1024xf32>,
      %mul3A_161 = arith.constant 4 : i32
      %mul3A_162 = arith.muli %mul3A_161, %scan3A_35 : i32
      %add3A_163 = arith.constant 2 : i32
      %add3A_164 = arith.addi %mul3A_162, %add3A_163 : i32
      %get3A_165 = arith.index_cast %add3A_164 : i32 to index
      %get3A_166 = arith.constant 0 : index
      %get3A_167 = arith.constant 0 : index
      %get3A_168 = vector.load %arg6[%get3A_165, %get3A_166, %get3A_167] : memref<128x8x4096xf32, #tpu.memory_space<vmem>>, vector<1x8x4096xf32>
      %get3A_169 = vector.shape_cast %get3A_168 : vector<1x8x4096xf32> to vector<8x4096xf32>
      %convert_element_type3A_170 = arith.truncf %mul3A_153 : vector<8x1024xf32> to vector<8x1024xbf16>
      %get3A_171 = arith.constant 0 : index
      %get3A_172 = arith.constant 0 : index
      %get3A_173 = vector.load %arg3[%get3A_171, %get3A_172] : memref<1024x4096xbf16, #tpu.memory_space<vmem>>, vector<1024x4096xbf16>
      %dot_general3A_174 = arith.constant dense<0.000000e+00> : vector<8x4096xf32>
      %dot_general3A_175 = tpu.matmul %convert_element_type3A_170, %get3A_173, %dot_general3A_174 {dimension_numbers = #tpu.dot_dimension_numbers<[1], [0], [0], [1], [0, 0, 1, 1], [], []>, transpose_lhs_hint = false} : vector<8x1024xbf16>, vector<1024x4096xbf16>, vector<8x4096xf32> -> vector<8x4096xf32>
      %add3A_176 = arith.addf %get3A_169, %dot_general3A_175 : vector<8x4096xf32>
      %slice3A_177 = vector.extract_strided_slice %add3A_176 {offsets = [0, 0], sizes = [8, 1024], strides = [1, 1]} : vector<8x4096xf32> to vector<8x1024xf32>
      %mul3A_178 = arith.constant 5.000000e-01 : f32
      %mul3A_179 = vector.broadcast %mul3A_178 : f32 to vector<8x1024xf32>
      %mul3A_180 = arith.mulf %mul3A_179, %slice3A_177 : vector<8x1024xf32>
      %tanh3A_181 = math.tanh %mul3A_180 : vector<8x1024xf32>
      %add3A_182 = arith.constant 1.000000e+00 : f32
      %add3A_183 = vector.broadcast %add3A_182 : f32 to vector<8x1024xf32>
      %add3A_184 = arith.addf %add3A_183, %tanh3A_181 : vector<8x1024xf32>
      %mul3A_185 = arith.constant 5.000000e-01 : f32
      %mul3A_186 = vector.broadcast %mul3A_185 : f32 to vector<8x1024xf32>
      %mul3A_187 = arith.mulf %mul3A_186, %add3A_184 : vector<8x1024xf32>
      %slice3A_188 = vector.extract_strided_slice %add3A_176 {offsets = [0, 1024], sizes = [8, 1024], strides = [1, 1]} : vector<8x4096xf32> to vector<8x1024xf32>
      %mul3A_189 = arith.constant 5.000000e-01 : f32
      %mul3A_190 = vector.broadcast %mul3A_189 : f32 to vector<8x1024xf32>
      %mul3A_191 = arith.mulf %mul3A_190, %slice3A_188 : vector<8x1024xf32>
      %tanh3A_192 = math.tanh %mul3A_191 : vector<8x1024xf32>
      %add3A_193 = arith.constant 1.000000e+00 : f32
      %add3A_194 = vector.broadcast %add3A_193 : f32 to vector<8x1024xf32>
      %add3A_195 = arith.addf %add3A_194, %tanh3A_192 : vector<8x1024xf32>
      %mul3A_196 = arith.constant 5.000000e-01 : f32
      %mul3A_197 = vector.broadcast %mul3A_196 : f32 to vector<8x1024xf32>
      %mul3A_198 = arith.mulf %mul3A_197, %add3A_195 : vector<8x1024xf32>
      %slice3A_199 = vector.extract_strided_slice %add3A_176 {offsets = [0, 2048], sizes = [8, 1024], strides = [1, 1]} : vector<8x4096xf32> to vector<8x1024xf32>
      %tanh3A_200 = math.tanh %slice3A_199 : vector<8x1024xf32>
      %slice3A_201 = vector.extract_strided_slice %add3A_176 {offsets = [0, 3072], sizes = [8, 1024], strides = [1, 1]} : vector<8x4096xf32> to vector<8x1024xf32>
      %mul3A_202 = arith.constant 5.000000e-01 : f32
      %mul3A_203 = vector.broadcast %mul3A_202 : f32 to vector<8x1024xf32>
      %mul3A_204 = arith.mulf %mul3A_203, %slice3A_201 : vector<8x1024xf32>
      %tanh3A_205 = math.tanh %mul3A_204 : vector<8x1024xf32>
      %add3A_206 = arith.constant 1.000000e+00 : f32
      %add3A_207 = vector.broadcast %add3A_206 : f32 to vector<8x1024xf32>
      %add3A_208 = arith.addf %add3A_207, %tanh3A_205 : vector<8x1024xf32>
      %mul3A_209 = arith.constant 5.000000e-01 : f32
      %mul3A_210 = vector.broadcast %mul3A_209 : f32 to vector<8x1024xf32>
      %mul3A_211 = arith.mulf %mul3A_210, %add3A_208 : vector<8x1024xf32>
      %mul3A_212 = arith.mulf %mul3A_198, %add3A_151 : vector<8x1024xf32>
      %mul3A_213 = arith.mulf %mul3A_187, %tanh3A_200 : vector<8x1024xf32>
      %add3A_214 = arith.addf %mul3A_212, %mul3A_213 : vector<8x1024xf32>
      %tanh3A_215 = math.tanh %add3A_214 : vector<8x1024xf32>
      %mul3A_216 = arith.mulf %mul3A_211, %tanh3A_215 : vector<8x1024xf32>
      %slice3A_217 = vector.extract_strided_slice %mul3A_216 {offsets = [0, 0], sizes = [4, 1024], strides = [1, 1]} : vector<8x1024xf32> to vector<4x1024xf32>
      %swap3A_218 = arith.constant 0 : index
      %swap3A_219 = arith.index_cast %add3A_164 : i32 to index
      %swap3A_220 = arith.constant 0 : index
      %swap3A_221 = vector.load %arg5[%swap3A_218, %swap3A_219, %swap3A_220] : memref<4x128x1024xf32, #tpu.memory_space<vmem>>, vector<4x1x1024xf32>
      %swap3A_222 = vector.shape_cast %swap3A_221 : vector<4x1x1024xf32> to vector<4x1024xf32>
      %swap3A_223 = vector.shape_cast %slice3A_217 : vector<4x1024xf32> to vector<4x1x1024xf32>
      tpu.vector_store %arg5[%swap3A_218, %swap3A_219, %swap3A_220], %swap3A_223 {strides = array<i32>} : memref<4x128x1024xf32, #tpu.memory_space<vmem>>, vector<4x1x1024xf32>,
      %mul3A_224 = arith.constant 4 : i32
      %mul3A_225 = arith.muli %mul3A_224, %scan3A_35 : i32
      %add3A_226 = arith.constant 3 : i32
      %add3A_227 = arith.addi %mul3A_225, %add3A_226 : i32
      %get3A_228 = arith.index_cast %add3A_227 : i32 to index
      %get3A_229 = arith.constant 0 : index
      %get3A_230 = arith.constant 0 : index
      %get3A_231 = vector.load %arg6[%get3A_228, %get3A_229, %get3A_230] : memref<128x8x4096xf32, #tpu.memory_space<vmem>>, vector<1x8x4096xf32>
      %get3A_232 = vector.shape_cast %get3A_231 : vector<1x8x4096xf32> to vector<8x4096xf32>
      %convert_element_type3A_233 = arith.truncf %mul3A_216 : vector<8x1024xf32> to vector<8x1024xbf16>
      %get3A_234 = arith.constant 0 : index
      %get3A_235 = arith.constant 0 : index
      %get3A_236 = vector.load %arg3[%get3A_234, %get3A_235] : memref<1024x4096xbf16, #tpu.memory_space<vmem>>, vector<1024x4096xbf16>
      %dot_general3A_237 = arith.constant dense<0.000000e+00> : vector<8x4096xf32>
      %dot_general3A_238 = tpu.matmul %convert_element_type3A_233, %get3A_236, %dot_general3A_237 {dimension_numbers = #tpu.dot_dimension_numbers<[1], [0], [0], [1], [0, 0, 1, 1], [], []>, transpose_lhs_hint = false} : vector<8x1024xbf16>, vector<1024x4096xbf16>, vector<8x4096xf32> -> vector<8x4096xf32>
      %add3A_239 = arith.addf %get3A_232, %dot_general3A_238 : vector<8x4096xf32>
      %slice3A_240 = vector.extract_strided_slice %add3A_239 {offsets = [0, 0], sizes = [8, 1024], strides = [1, 1]} : vector<8x4096xf32> to vector<8x1024xf32>
      %mul3A_241 = arith.constant 5.000000e-01 : f32
      %mul3A_242 = vector.broadcast %mul3A_241 : f32 to vector<8x1024xf32>
      %mul3A_243 = arith.mulf %mul3A_242, %slice3A_240 : vector<8x1024xf32>
      %tanh3A_244 = math.tanh %mul3A_243 : vector<8x1024xf32>
      %add3A_245 = arith.constant 1.000000e+00 : f32
      %add3A_246 = vector.broadcast %add3A_245 : f32 to vector<8x1024xf32>
      %add3A_247 = arith.addf %add3A_246, %tanh3A_244 : vector<8x1024xf32>
      %mul3A_248 = arith.constant 5.000000e-01 : f32
      %mul3A_249 = vector.broadcast %mul3A_248 : f32 to vector<8x1024xf32>
      %mul3A_250 = arith.mulf %mul3A_249, %add3A_247 : vector<8x1024xf32>
      %slice3A_251 = vector.extract_strided_slice %add3A_239 {offsets = [0, 1024], sizes = [8, 1024], strides = [1, 1]} : vector<8x4096xf32> to vector<8x1024xf32>
      %mul3A_252 = arith.constant 5.000000e-01 : f32
      %mul3A_253 = vector.broadcast %mul3A_252 : f32 to vector<8x1024xf32>
      %mul3A_254 = arith.mulf %mul3A_253, %slice3A_251 : vector<8x1024xf32>
      %tanh3A_255 = math.tanh %mul3A_254 : vector<8x1024xf32>
      %add3A_256 = arith.constant 1.000000e+00 : f32
      %add3A_257 = vector.broadcast %add3A_256 : f32 to vector<8x1024xf32>
      %add3A_258 = arith.addf %add3A_257, %tanh3A_255 : vector<8x1024xf32>
      %mul3A_259 = arith.constant 5.000000e-01 : f32
      %mul3A_260 = vector.broadcast %mul3A_259 : f32 to vector<8x1024xf32>
      %mul3A_261 = arith.mulf %mul3A_260, %add3A_258 : vector<8x1024xf32>
      %slice3A_262 = vector.extract_strided_slice %add3A_239 {offsets = [0, 2048], sizes = [8, 1024], strides = [1, 1]} : vector<8x4096xf32> to vector<8x1024xf32>
      %tanh3A_263 = math.tanh %slice3A_262 : vector<8x1024xf32>
      %slice3A_264 = vector.extract_strided_slice %add3A_239 {offsets = [0, 3072], sizes = [8, 1024], strides = [1, 1]} : vector<8x4096xf32> to vector<8x1024xf32>
      %mul3A_265 = arith.constant 5.000000e-01 : f32
      %mul3A_266 = vector.broadcast %mul3A_265 : f32 to vector<8x1024xf32>
      %mul3A_267 = arith.mulf %mul3A_266, %slice3A_264 : vector<8x1024xf32>
      %tanh3A_268 = math.tanh %mul3A_267 : vector<8x1024xf32>
      %add3A_269 = arith.constant 1.000000e+00 : f32
      %add3A_270 = vector.broadcast %add3A_269 : f32 to vector<8x1024xf32>
      %add3A_271 = arith.addf %add3A_270, %tanh3A_268 : vector<8x1024xf32>
      %mul3A_272 = arith.constant 5.000000e-01 : f32
      %mul3A_273 = vector.broadcast %mul3A_272 : f32 to vector<8x1024xf32>
      %mul3A_274 = arith.mulf %mul3A_273, %add3A_271 : vector<8x1024xf32>
      %mul3A_275 = arith.mulf %mul3A_261, %add3A_214 : vector<8x1024xf32>
      %mul3A_276 = arith.mulf %mul3A_250, %tanh3A_263 : vector<8x1024xf32>
      %add3A_277 = arith.addf %mul3A_275, %mul3A_276 : vector<8x1024xf32>
      %tanh3A_278 = math.tanh %add3A_277 : vector<8x1024xf32>
      %mul3A_279 = arith.mulf %mul3A_274, %tanh3A_278 : vector<8x1024xf32>
      %slice3A_280 = vector.extract_strided_slice %mul3A_279 {offsets = [0, 0], sizes = [4, 1024], strides = [1, 1]} : vector<8x1024xf32> to vector<4x1024xf32>
      %swap3A_281 = arith.constant 0 : index
      %swap3A_282 = arith.index_cast %add3A_227 : i32 to index
      %swap3A_283 = arith.constant 0 : index
      %swap3A_284 = vector.load %arg5[%swap3A_281, %swap3A_282, %swap3A_283] : memref<4x128x1024xf32, #tpu.memory_space<vmem>>, vector<4x1x1024xf32>
      %swap3A_285 = vector.shape_cast %swap3A_284 : vector<4x1x1024xf32> to vector<4x1024xf32>
      %swap3A_286 = vector.shape_cast %slice3A_280 : vector<4x1024xf32> to vector<4x1x1024xf32>
      tpu.vector_store %arg5[%swap3A_281, %swap3A_282, %swap3A_283], %swap3A_286 {strides = array<i32>} : memref<4x128x1024xf32, #tpu.memory_space<vmem>>, vector<4x1x1024xf32>,
      scf.yield %mul3A_279, %add3A_277 : vector<8x1024xf32>, vector<8x1024xf32>
    }
    %scan3A_28 = arith.constant 32 : i32
    %swap3A_29 = arith.constant 0 : index
    %swap3A_30 = arith.constant 0 : index
    %swap3A_31 = vector.load %arg7[%swap3A_29, %swap3A_30] : memref<8x1024xf32, #tpu.memory_space<vmem>>, vector<8x1024xf32>
    tpu.vector_store %arg7[%swap3A_29, %swap3A_30], %scan3A_27#0 {strides = array<i32>} : memref<8x1024xf32, #tpu.memory_space<vmem>>, vector<8x1024xf32>,
    %swap3A_32 = arith.constant 0 : index
    %swap3A_33 = arith.constant 0 : index
    %swap3A_34 = vector.load %arg8[%swap3A_32, %swap3A_33] : memref<8x1024xf32, #tpu.memory_space<vmem>>, vector<8x1024xf32>
    tpu.vector_store %arg8[%swap3A_32, %swap3A_33], %scan3A_27#1 {strides = array<i32>} : memref<8x1024xf32, #tpu.memory_space<vmem>>, vector<8x1024xf32>,
    return
  }
  func.func @transform_0(%arg0: i32) -> (i32, i32, i32) {
    %c0_i32 = arith.constant 0 : i32
    %c0_i32_0 = arith.constant 0 : i32
    %c0_i32_1 = arith.constant 0 : i32
    return %arg0, %c0_i32, %c0_i32_0 : i32, i32, i32
  }
  func.func @transform_1(%arg0: i32) -> (i32, i32) {
    %c0_i32 = arith.constant 0 : i32
    %c0_i32_0 = arith.constant 0 : i32
    %c0_i32_1 = arith.constant 0 : i32
    return %c0_i32, %c0_i32_0 : i32, i32
  }
  func.func @transform_2(%arg0: i32) -> (i32, i32) {
    %c0_i32 = arith.constant 0 : i32
    %c0_i32_0 = arith.constant 0 : i32
    %c0_i32_1 = arith.constant 0 : i32
    return %c0_i32, %c0_i32_0 : i32, i32
  }
  func.func @transform_3(%arg0: i32) -> (i32, i32) {
    %c0_i32 = arith.constant 0 : i32
    %c0_i32_0 = arith.constant 0 : i32
    %c0_i32_1 = arith.constant 0 : i32
    return %c0_i32, %c0_i32_0 : i32, i32
  }
  func.func @transform_4(%arg0: i32) -> (i32, i32, i32) {
    %c0_i32 = arith.constant 0 : i32
    %c0_i32_0 = arith.constant 0 : i32
    %c0_i32_1 = arith.constant 0 : i32
    return %c0_i32, %arg0, %c0_i32_0 : i32, i32, i32
  }
}

</mosaic_0001>

<sc_bundles>
// kernel: kernel.4.cloned.1.call-start
scs
__scs_entry_jumppad:
0x0: {  	(pc) =	sbr.rel $0x88, $3  }
0x1: {  	(tag) =	ssettag $0x0;
	lr =	simm.s32 $0x1  }
0x2: {  	[smem:$0x3F9B] =	sst lr;
	_ =	strace $0xD0000000  }
0x3: {  	_ = 	snop  }
0x4: {  	_ = 	snop  }
0x5: {  	_ = 	snop  }
0x6: {  	_ = 	snop  }
0x7: {  	_ = 	snop  }
__scs_overlays_trampoline_lowered:
0x8: {  	[smem:$0x3FAA] =	sst s0  }
0x9: {  	[smem:$0x3FAB] =	sst s1  }
0xa: {  	[smem:$0x3FAC] =	sst s2  }
0xb: {  	[smem:$0x3FAD] =	sst s3  }
0xc: {  	[smem:$0x3FAE] =	sst s4  }
0xd: {  	[smem:$0x3FAF] =	sst s5  }
0xe: {  	[smem:$0x3FB0] =	sst s6  }
0xf: {  	[smem:$0x3FB1] =	sst s7  }
0x10: {  	[smem:$0x3FB2] =	sst s8  }
0x11: {  	[smem:$0x3FB3] =	sst s9;
	s0 =	simm.s32 @!p0 $0x0  }
0x12: {  	s1 =	sld [smem:$0x3F99];
	s0 =	simm.s32 @p0 $0x1  }
0x13: {  	[smem:$0x3FB4] =	sst s0;
	s0 =	simm.s32 @!p1 $0x0  }
0x14: {  	s2 =	sld [smem:$0x3F98];
	s0 =	simm.s32 @p1 $0x1  }
0x15: {  	[smem:$0x3FB5] =	sst s0;
	s0 =	simm.s32 @!p2 $0x0  }
0x16: {  	s3 =	sld [smem:$0x3FDB];
	s0 =	simm.s32 @p2 $0x1  }
0x17: {  	s4 =	simm.s32 $0x1BF5;
	[smem:$0x3FB7] =	sst s0  }
0x18: {  	s0 =	sld [smem:$0x3F9A];
	_ =	swait.ge [sflag:s4], $0x0  }
0x19: {  	s7 =	sld [smem:$0x3F9B]  }
0x1a: {  	s8 =	sadd.s32 $0xFFFFE003, lr  }
0x1b: {  	s9 =	sadd.s32 $0xFFFFFEF7, lr;
	s5 =	simm.s32 $0xFFFFFFFF;
	p2 =	slt.u32 s8, $0xFFFFF086  }
0x1c: {  	p1 =	slt.u32 s9, $0xF7A;
	s5 =	simm.s32 @!p2 $0x0  }
0x1d: {  	s5 =	simm.s32 @p1 $0x1;
	p0 =	seq.s32 s7, s2  }
0x1e: {  	s7 =	smul.u32 @!p0 $0xF7A, s2;
	p2 =	seq.s32 @!p0 s5, $0x0  }
0x1f: {  	s9 =	smul.u32 $0xF7A, s1;
	s8 =	simm.s32 @!p0 $0x1BF5;
	p2 =	por !p2, p0  }
0x20: {  	[sflag:s8] =	ssyncset.s32 @!p0 $0xFFFFF086;
	s6 =	sadd.s32 @!p0 s3, s7;
	s7 =	simm.s32 @!p0 $0x108  }
0x21: {  	s3 =	sadd.s32 s3, s9;
	s6 =	sadd.s32 @!p0 $0x88, s6;
	s7 =	simm.s32 @p2 $0x1082  }
0x22: {  	[simem:s7], [sflag:s8] =	dma.local @!p0 [hbm:s6], $0xF7A  }
0x23: {  	s9 =	sor.u32 $0xD0000000, s2;
	s6 =	simm.s32 $0x108;
	_ =	swait.ge @!p0 [sflag:s8], $0x0  }
0x24: {  	s3 =	sadd.s32 $0x88, s3;
	s6 =	simm.s32 @!p1 $0x1082;
	[sflag:s4] =	ssyncset.s32 $0xFFFFF086  }
0x25: {  	[simem:s6], [sflag:s4] =	dma.local [hbm:s3], $0xF7A  }
0x26: {  	[smem:$0x3F9B] =	sst s1;
	(tag) =	ssettag s2;
	_ =	strace s9  }
0x27: {  	s1 =	sld [smem:$0x3FAB]  }
0x28: {  	s2 =	sld [smem:$0x3FAC]  }
0x29: {  	s4 =	sld [smem:$0x3FAE]  }
0x2a: {  	p0 =	seq.s32 s5, $0x0;
	s5 =	sld [smem:$0x3FAF]  }
0x2b: {  	s6 =	sld [smem:$0x3FB0]  }
0x2c: {  	s7 =	sld [smem:$0x3FB1]  }
0x2d: {  	s3 =	simm.s32 $0x108;
	s8 =	sld [smem:$0x3FB2]  }
0x2e: {  	s3 =	simm.s32 @!p0 $0x1082;
	s9 =	sld [smem:$0x3FB3]  }
0x2f: {  	lr =	sadd.s32 s0, s3;
	s0 =	sld [smem:$0x3FAA]  }
0x30: {  	s3 =	sld [smem:$0x3FAD]  }
0x31: {  	[smem:$0x3FB6] =	sst s10  }
0x32: {  	s10 =	sld [smem:$0x3FB4];
	_ =	sdelay $0x3  }
0x33: {  	p0 =	seq.s32 s10, $0x1;
	s10 =	sld [smem:$0x3FB6];
	_ =	sdelay $0x3  }
0x34: {  	[smem:$0x3FB6] =	sst s10  }
0x35: {  	s10 =	sld [smem:$0x3FB5];
	_ =	sdelay $0x3  }
0x36: {  	p1 =	seq.s32 s10, $0x1;
	s10 =	sld [smem:$0x3FB6];
	_ =	sdelay $0x3  }
0x37: {  	[smem:$0x3FB6] =	sst s10  }
0x38: {  	s10 =	sld [smem:$0x3FB7]  }
0x39: {  	_ = 	snop;
	(pc) =	sbr.ind lr, $3  }
0x3a: {  	_ = 	snop  }
0x3b: {  	_ = 	snop  }
0x3c: {  	p2 =	seq.s32 s10, $0x1;
	s10 =	sld [smem:$0x3FB6]  }
0x3d: {  	_ =	shalt  }
0x3e: {  	_ =	shalt  }
0x3f: {  	_ =	shalt  }
0x40: {  	_ =	shalt  }
0x41: {  	_ =	shalt  }
0x42: {  	_ =	shalt  }
0x43: {  	_ =	shalt  }
0x44: {  	_ =	shalt  }
0x45: {  	_ =	shalt  }
0x46: {  	_ =	shalt  }
0x47: {  	_ =	shalt  }
0x48: {  	_ =	shalt  }
0x49: {  	_ =	shalt  }
0x4a: {  	_ =	shalt  }
0x4b: {  	_ =	shalt  }
0x4c: {  	_ =	shalt  }
0x4d: {  	_ =	shalt  }
0x4e: {  	_ =	shalt  }
0x4f: {  	_ =	shalt  }
0x50: {  	_ =	shalt  }
0x51: {  	_ =	shalt  }
0x52: {  	_ =	shalt  }
0x53: {  	_ =	shalt  }
0x54: {  	_ =	shalt  }
0x55: {  	_ =	shalt  }
0x56: {  	_ =	shalt  }
0x57: {  	_ =	shalt  }
0x58: {  	_ =	shalt  }
0x59: {  	_ =	shalt  }
0x5a: {  	_ =	shalt  }
0x5b: {  	_ =	shalt  }
0x5c: {  	_ =	shalt  }
0x5d: {  	_ =	shalt  }
0x5e: {  	_ =	shalt  }
0x5f: {  	_ =	shalt  }
0x60: {  	_ =	shalt  }
0x61: {  	_ =	shalt  }
0x62: {  	_ =	shalt  }
0x63: {  	_ =	shalt  }
0x64: {  	_ =	shalt  }
0x65: {  	_ =	shalt  }
0x66: {  	_ =	shalt  }
0x67: {  	_ =	shalt  }
0x68: {  	_ =	shalt  }
0x69: {  	_ =	shalt  }
0x6a: {  	_ =	shalt  }
0x6b: {  	_ =	shalt  }
0x6c: {  	_ =	shalt  }
0x6d: {  	_ =	shalt  }
0x6e: {  	_ =	shalt  }
0x6f: {  	_ =	shalt  }
0x70: {  	_ =	shalt  }
0x71: {  	_ =	shalt  }
0x72: {  	_ =	shalt  }
0x73: {  	_ =	shalt  }
0x74: {  	_ =	shalt  }
0x75: {  	_ =	shalt  }
0x76: {  	_ =	shalt  }
0x77: {  	_ =	shalt  }
0x78: {  	_ =	shalt  }
0x79: {  	_ =	shalt  }
0x7a: {  	_ =	shalt  }
0x7b: {  	_ =	shalt  }
0x7c: {  	_ =	shalt  }
0x7d: {  	_ =	shalt  }
0x7e: {  	_ =	shalt  }
0x7f: {  	_ =	shalt  }
0x80: {  	_ =	shalt  }
0x81: {  	_ =	shalt  }
0x82: {  	_ =	shalt  }
0x83: {  	_ =	shalt  }
0x84: {  	_ =	shalt  }
0x85: {  	_ =	shalt  }
0x86: {  	_ =	shalt  }
0x87: {  	_ =	shalt  }
.Lfunc_end0:
.L_simem_size_0:
called_computation_lowered:
.L_overlay_start_0:
0x88: {  	s2 =	sld [smem:$0x3FD9]  }
0x89: {  	s3 =	sld [smem:$0x3FFE];
	_ =	sdelay $0x1  }
0x8a: {  	s1 =	srdreg.scid  }
0x8b: {  	s0 =	sand.u32 $0x1, s1  }
0x8c: {  	s17 =	sshll.u32 s0, $0xA;
	s2 =	sadd.s32 s3, s2  }
0x8d: {  	s2 =	sadd.s32 s2, s17  }
0x8e: {  	[smem:$0x3FC2] =	sst s2  }
0x8f: {  	_ = 	snop  }
0x90: {  	s2 =	sld [smem:$0x3FC8]  }
0x91: {  	s18 =	sld [smem:$0x3FD0];
	(tm) =	ssettm $0x1  }
0x92: {  	s4 =	sld [smem:$0x3FFB];
	_ =	sdelay $0x3  }
0x93: {  	_ =	strace s4  }
0x94: {  	s4 =	sld [smem:$0x3FFC];
	_ =	sdelay $0x3  }
0x95: {  	_ =	strace s4  }
0x96: {  	s4 =	sld [smem:$0x3FFD];
	_ =	sdelay $0x3  }
0x97: {  	_ =	strace s4  }
0x98: {  	_ =	strace $0x8FFFFFFF  }
0x99: {  	s19 =	sld [smem:$0x3FDB];
	_ =	sdelay $0x1  }
0x9a: {  	s5 =	simm.s32 $_scs_section_size  }
0x9b: {  	s6 =	simm.s32 $_size__tile_overlayer_lowered;
	s7 =	simm.s32 $_tile_overlayer_lowered  }
0x9c: {  	s22 =	simm.s32 $0x1BFF;
	s21 =	sshll.u32 s7, $0x1;
	s4 =	sadd.s32 s5, s19  }
0x9d: {  	s8 =	simm.s32 $0x0;
	s20 =	sshll.u32 s6, $0x1;
	s6 =	sadd.s32 s21, s4  }
0x9e: {  	[timem:s8], [sflag:s22] =	dma.local [hbm:s6], s20  }
0x9f: {  	_ =	swait.ge [sflag:s22], s20  }
0xa0: {  	s5 =	ssub.s32 $0x0, s20;
	[sflag:s22] =	ssyncset.done $0x0  }
0xa1: {  	[sflag:s22] =	ssyncadd.s32 s5;
	_ =	sdelay $0x1  }
0xa2: {  	s23 =	simm.s32 $0x1B8B  }
0xa3: {  	_ =	swait.ge [sflag:s23], $0x1  }
0xa4: {  	[sflag:s23] =	ssyncset.done $0x0  }
0xa5: {  	s25 =	simm.s32 $0x1B8E;
	s24 =	sld [smem:$0x3FFE];
	[sflag:s23] =	ssyncadd.s32 $0xFFFFFFFF  }
0xa6: {  	s26 =	simm.s32 $execute0_lowered;
	[smem:$0x3FD2] =	sst s25  }
0xa7: {  	s6 =	sshll.u32 s26, $0x1;
	_ =	strace $0x80000046;
	[dreg:$0x1] =	wrdreg $0xFFFFFFFF  }
0xa8: {  	s28 =	simm.s32 $_size_execute0_lowered;
	s4 =	sadd.s32 s4, s6;
	[dreg:$0x0] =	wrdreg $0x0  }
0xa9: {  	s6 =	sshll.u32 s28, $0x1;
	[dreg:$0x2] =	wrdreg s4  }
0xaa: {  	[dreg:$0x3] =	wrdreg s6  }
0xab: {  	[dreg:$0x4] =	wrdreg $0xC0  }
0xac: {  	_ =	task [dreg:s8], $0x5FFFF  }
0xad: {  	[dreg:$0x1] =	wrdreg $0xFFFFFFFF  }
0xae: {  	[dreg:$0x0] =	wrdreg $0x60  }
0xaf: {  	[dreg:$0x2] =	wrdreg s2  }
0xb0: {  	[dreg:$0x3] =	wrdreg s18  }
0xb1: {  	[dreg:$0x4] =	wrdreg s24  }
0xb2: {  	[dreg:$0x5] =	wrdreg $0x9  }
0xb3: {  	_ =	task.clear_ibuf [dreg:s8], $0x6FFFF;
	_ =	strace $0x90000046  }
0xb4: {  	s29 =	simm.s32 $0x9;
	_ =	strace $0x80000048  }
0xb5: {  	_ =	swait.ge [sflag:s29], $0x1  }
0xb6: {  	[sflag:s29] =	ssyncadd.s32 $0xFFFFFFFF  }
0xb7: {  	_ =	strace $0x90000048  }
0xb8: {  	_ =	sfence  }
0xb9: {  	s30 =	sld [smem:$0x0];
	_ =	sdelay $0x2  }
0xba: {  	s31 =	sshll.u32 s1, $0xD;
	s1 =	sshrl.u32 s1, $0x2  }
0xbb: {  	s3 =	sand.u32 $0x4000, s31;
	s1 =	sadd.s32 s1, s30  }
0xbc: {  	s0 =	sor.u32 s3, s0;
	s1 =	sshll.u32 s1, $0x11  }
0xbd: {  	s0 =	sor.u32 s1, s0  }
0xbe: {  	s0 =	sadd.s32 $0x8F2B, s0  }
0xbf: {  	[sflag:s0] =	ssyncadd.remote.s32 $0x1  }
0xc0: {  	_ =	sfence.sel $0xFFFF  }
0xc1: {  	[dreg:$0x0] =	wrdreg $0xFFFFFFFF;
	(pc) =	sbr.abs _section_cstart, $3  }
0xc2: {  	[dreg:$0x1] =	wrdreg $0xFFFFFFFF  }
0xc3: {  	_ =	task.clear_ibuf [dreg:s8], $0x2FFFF;
	_ =	strace $0x9FFFFFFF  }
0xc4: {  	(tm) =	ssettm $0x7FFFFFFF  }
0xc5: {  	_ =	shalt  }
tec
execute0_lowered:
.L_overlay_start_1:
0x0: {  	(tag) =	ssettag $0x1  }
0x1: {  	s0 =	srdreg.scid  }
0x2: {  	s1 =	rddreg [dreg:$0x0];
	s3 =	stileid.u32;
	s0 =	sand.u32 $0x1, s0  }
0x3: {  	s2 =	rddreg [dreg:$0x1];
	s5 =	sshll.u32 s3, $0xA;
	s6 =	sshll.u32 s0, $0x9  }
0x4: {  	s4 =	rddreg [dreg:$0x2];
	s5 =	sor.u32 s6, s5  }
0x5: {  	s3 =	simm.s32 $0x0;
	s6 =	sshll.u32 s5, $0x7;
	s5 =	sshrl.u32 s5, $0x3  }
0x6: {  	[smem:$0x7FF] =	sst s3;
	s6 =	sadd.s32 s6, s4;
	s2 =	sadd.s32 s2, s5  }
0x7: {  	_ =	strace $0x80000047;
	[dreg:$0x4] =	wrdreg s2;
	s14 =	sadd.s32 $0xA00, s6  }
0x8: {  	s15 =	sadd.s32 $0x1A00, s6;
	[dreg:$0x5] =	wrdreg s14  }
0x9: {  	s16 =	sadd.s32 $0x2A00, s6;
	[dreg:$0x6] =	wrdreg s15  }
0xa: {  	s17 =	sadd.s32 $0x3A00, s6;
	[dreg:$0x7] =	wrdreg s16  }
0xb: {  	s18 =	sadd.s32 $0x4A00, s6;
	[dreg:$0x8] =	wrdreg s17  }
0xc: {  	s19 =	sadd.s32 $0x5A00, s6;
	[dreg:$0x9] =	wrdreg s18  }
0xd: {  	s20 =	sadd.s32 $0x6A00, s6;
	[dreg:$0xa] =	wrdreg s19  }
0xe: {  	s21 =	sadd.s32 $0x7A00, s6;
	[dreg:$0xb] =	wrdreg s20  }
0xf: {  	s22 =	sadd.s32 $0x8A00, s6;
	[dreg:$0xc] =	wrdreg s21  }
0x10: {  	s8 =	simm.s32 $0x3;
	s23 =	sadd.s32 $0x9A00, s6;
	[dreg:$0xd] =	wrdreg s22  }
0x11: {  	s9 =	simm.s32 $0x200;
	s24 =	sadd.s32 $0xAA00, s6;
	[dreg:$0xe] =	wrdreg s23  }
0x12: {  	s0 =	ssub.s32 $0x2, s0;
	s25 =	sadd.s32 $0xBA00, s6;
	[dreg:$0xf] =	wrdreg s24  }
0x13: {  	s28 =	sshrl.u32 s0, $0x1;
	s26 =	sadd.s32 $0xCA00, s6;
	[dreg:$0x10] =	wrdreg s25  }
0x14: {  	s0 =	ssub.s32 s0, s28;
	s29 =	sadd.s32 $0xDA00, s6;
	[dreg:$0x11] =	wrdreg s26  }
0x15: {  	s4 =	sadd.s32 $0x100, s1;
	s30 =	sadd.s32 $0xEA00, s6;
	[dreg:$0x12] =	wrdreg s29  }
0x16: {  	v2 =	vlaneseq.u32;
	s5 =	sadd.s32 $0x200, s1;
	s31 =	sadd.s32 $0xFA00, s6;
	[dreg:$0x13] =	wrdreg s30  }
0x17: {  	vm0 =	vmmov $0xffff;
	v1 =	vshrl.u32 v2, $0x3;
	s6 =	sadd.s32 $0x300, s1;
	[dreg:$0x14] =	wrdreg s31;
	s26 =	smax.u32 s0, $0x1  }
0x18: {  	v0 =	vand.u32 $0x7, v2;
	v2 =	vor.u32 $0x8, v2;
	v1 =	vmul.u32 $0x8, v1;
	s25 =	simm.s32 $0x8200;
	s18 =	simm.s32 $0x1;
	s19 =	simm.s32 $0x2  }
.LBB2_1:
0x19: {  	s20 =	rddreg [dreg:$0x4]  }
0x1a: {  	[tilespmem:s3], [sflag:$0x3] =	stream.linear.gather [hbm4b:s20+s3], $0x200, $0x38;
	[tilespmem:$0x10200] =	vst v63  }
0x1b: {  	_ =	swait.ge [sflag:s8], $0x200  }
0x1c: {  	[sflag:s8] =	ssyncset.done $0x0  }
0x1d: {  	[sflag:s8] =	ssyncadd.s32 $0xFFFFFE00  }
0x1e: {  	v3 =	vld [tilespmem:$0x0];
	_ =	sdelay $0x4  }
0x1f: {  	v4 =	vshll.u32 v3, $0x3  }
0x20: {  	v3 =	vand.u32 $0x7, v3;
	v4 =	vand.u32 $0xFFFFFFC0, v4  }
0x21: {  	v3 =	vor.u32 v3, v4  }
0x22: {  	v4 =	vperm.xlane v3, v0;
	_ =	sdelay $0x1  }
0x23: {  	v4 =	vadd.s32 v1, v4;
	_ =	sdelay $0x4  }
0x24: {  	[tilespmem:s9], [sflag:$0x1] =	stream.indirect_vreg.gather [hbm4b:s1+s3], $0x80, v4, vm0, $0xb8;
	[tilespmem:$0x10200] =	vst v63  }
0x25: {  	s0 =	simm.s32 $0xA00;
	v3 =	vperm.xlane v3, v2  }
0x26: {  	[tilespmem:s0], [sflag:$0x1] =	stream.indirect_vreg.gather [hbm4b:s4+s3], $0x80, v4, vm0, $0xb8;
	[tilespmem:$0x10200] =	vst v63  }
0x27: {  	s11 =	simm.s32 $0x1200;
	v3 =	vadd.s32 v1, v3  }
0x28: {  	[tilespmem:s11], [sflag:$0x1] =	stream.indirect_vreg.gather [hbm4b:s5+s3], $0x80, v4, vm0, $0xb8;
	[tilespmem:$0x10200] =	vst v63  }
0x29: {  	s12 =	simm.s32 $0x1A00  }
0x2a: {  	[tilespmem:s12], [sflag:$0x1] =	stream.indirect_vreg.gather [hbm4b:s6+s3], $0x80, v4, vm0, $0xb8;
	[tilespmem:$0x10200] =	vst v63  }
0x2b: {  	s13 =	simm.s32 $0x2200  }
0x2c: {  	[tilespmem:s13], [sflag:$0x1] =	stream.indirect_vreg.gather [hbm4b:s1+s3], $0x80, v3, vm0, $0xb8;
	[tilespmem:$0x10200] =	vst v63  }
0x2d: {  	s14 =	simm.s32 $0x2A00  }
0x2e: {  	[tilespmem:s14], [sflag:$0x1] =	stream.indirect_vreg.gather [hbm4b:s4+s3], $0x80, v3, vm0, $0xb8;
	[tilespmem:$0x10200] =	vst v63  }
0x2f: {  	s15 =	simm.s32 $0x3200  }
0x30: {  	[tilespmem:s15], [sflag:$0x1] =	stream.indirect_vreg.gather [hbm4b:s5+s3], $0x80, v3, vm0, $0xb8;
	[tilespmem:$0x10200] =	vst v63  }
0x31: {  	s16 =	simm.s32 $0x3A00  }
0x32: {  	[tilespmem:s16], [sflag:$0x1] =	stream.indirect_vreg.gather [hbm4b:s6+s3], $0x80, v3, vm0, $0xb8;
	[tilespmem:$0x10200] =	vst v63  }
0x33: {  	v3 =	vld [tilespmem:$0x10];
	_ =	sdelay $0x4  }
0x34: {  	v33 =	vshll.u32 v3, $0x3  }
0x35: {  	v3 =	vand.u32 $0x7, v3;
	v4 =	vand.u32 $0xFFFFFFC0, v33  }
0x36: {  	v3 =	vor.u32 v3, v4  }
0x37: {  	v4 =	vperm.xlane v3, v0;
	_ =	sdelay $0x1  }
0x38: {  	v4 =	vadd.s32 v1, v4;
	_ =	sdelay $0x3  }
0x39: {  	s17 =	simm.s32 $0x4200  }
0x3a: {  	[tilespmem:s17], [sflag:$0x1] =	stream.indirect_vreg.gather [hbm4b:s1+s3], $0x80, v4, vm0, $0xb8;
	[tilespmem:$0x10200] =	vst v63  }
0x3b: {  	s20 =	simm.s32 $0x4A00;
	v3 =	vperm.xlane v3, v2  }
0x3c: {  	[tilespmem:s20], [sflag:$0x1] =	stream.indirect_vreg.gather [hbm4b:s4+s3], $0x80, v4, vm0, $0xb8;
	[tilespmem:$0x10200] =	vst v63  }
0x3d: {  	s22 =	simm.s32 $0x5200;
	v3 =	vadd.s32 v1, v3  }
0x3e: {  	[tilespmem:s22], [sflag:$0x1] =	stream.indirect_vreg.gather [hbm4b:s5+s3], $0x80, v4, vm0, $0xb8;
	[tilespmem:$0x10200] =	vst v63  }
0x3f: {  	s23 =	simm.s32 $0x5A00  }
0x40: {  	[tilespmem:s23], [sflag:$0x1] =	stream.indirect_vreg.gather [hbm4b:s6+s3], $0x80, v4, vm0, $0xb8;
	[tilespmem:$0x10200] =	vst v63  }
0x41: {  	s24 =	simm.s32 $0x6200  }
0x42: {  	[tilespmem:s24], [sflag:$0x1] =	stream.indirect_vreg.gather [hbm4b:s1+s3], $0x80, v3, vm0, $0xb8;
	[tilespmem:$0x10200] =	vst v63  }
0x43: {  	s28 =	simm.s32 $0x6A00  }
0x44: {  	[tilespmem:s28], [sflag:$0x1] =	stream.indirect_vreg.gather [hbm4b:s4+s3], $0x80, v3, vm0, $0xb8;
	[tilespmem:$0x10200] =	vst v63  }
0x45: {  	s29 =	simm.s32 $0x7200  }
0x46: {  	[tilespmem:s29], [sflag:$0x1] =	stream.indirect_vreg.gather [hbm4b:s5+s3], $0x80, v3, vm0, $0xb8;
	[tilespmem:$0x10200] =	vst v63  }
0x47: {  	s30 =	simm.s32 $0x7A00  }
0x48: {  	[tilespmem:s30], [sflag:$0x1] =	stream.indirect_vreg.gather [hbm4b:s6+s3], $0x80, v3, vm0, $0xb8;
	[tilespmem:$0x10200] =	vst v63  }
0x49: {  	v3 =	vld [tilespmem:$0x20];
	_ =	sdelay $0x4  }
0x4a: {  	v34 =	vshll.u32 v3, $0x3  }
0x4b: {  	v3 =	vand.u32 $0x7, v3;
	v4 =	vand.u32 $0xFFFFFFC0, v34  }
0x4c: {  	v3 =	vor.u32 v3, v4  }
0x4d: {  	v4 =	vperm.xlane v3, v0;
	_ =	sdelay $0x1  }
0x4e: {  	v4 =	vadd.s32 v1, v4;
	_ =	sdelay $0x4  }
0x4f: {  	[tilespmem:s25], [sflag:$0x2] =	stream.indirect_vreg.gather [hbm4b:s1+s3], $0x80, v4, vm0, $0xb8;
	[tilespmem:$0x10200] =	vst v63  }
0x50: {  	s31 =	simm.s32 $0x8A00;
	v3 =	vperm.xlane v3, v2  }
0x51: {  	[tilespmem:s31], [sflag:$0x2] =	stream.indirect_vreg.gather [hbm4b:s4+s3], $0x80, v4, vm0, $0xb8;
	[tilespmem:$0x10200] =	vst v63  }
0x52: {  	s13 =	simm.s32 $0x9200;
	v3 =	vadd.s32 v1, v3  }
0x53: {  	[tilespmem:s13], [sflag:$0x2] =	stream.indirect_vreg.gather [hbm4b:s5+s3], $0x80, v4, vm0, $0xb8;
	[tilespmem:$0x10200] =	vst v63  }
0x54: {  	s15 =	simm.s32 $0x9A00  }
0x55: {  	[tilespmem:s15], [sflag:$0x2] =	stream.indirect_vreg.gather [hbm4b:s6+s3], $0x80, v4, vm0, $0xb8;
	[tilespmem:$0x10200] =	vst v63  }
0x56: {  	s16 =	simm.s32 $0xA200  }
0x57: {  	[tilespmem:s16], [sflag:$0x2] =	stream.indirect_vreg.gather [hbm4b:s1+s3], $0x80, v3, vm0, $0xb8;
	[tilespmem:$0x10200] =	vst v63  }
0x58: {  	s17 =	simm.s32 $0xAA00  }
0x59: {  	[tilespmem:s17], [sflag:$0x2] =	stream.indirect_vreg.gather [hbm4b:s4+s3], $0x80, v3, vm0, $0xb8;
	[tilespmem:$0x10200] =	vst v63  }
0x5a: {  	s22 =	simm.s32 $0xB200  }
0x5b: {  	[tilespmem:s22], [sflag:$0x2] =	stream.indirect_vreg.gather [hbm4b:s5+s3], $0x80, v3, vm0, $0xb8;
	[tilespmem:$0x10200] =	vst v63  }
0x5c: {  	s23 =	simm.s32 $0xBA00  }
0x5d: {  	[tilespmem:s23], [sflag:$0x2] =	stream.indirect_vreg.gather [hbm4b:s6+s3], $0x80, v3, vm0, $0xb8;
	[tilespmem:$0x10200] =	vst v63  }
0x5e: {  	v3 =	vld [tilespmem:$0x30];
	_ =	sdelay $0x4  }
0x5f: {  	v35 =	vshll.u32 v3, $0x3  }
0x60: {  	v3 =	vand.u32 $0x7, v3;
	v4 =	vand.u32 $0xFFFFFFC0, v35  }
0x61: {  	v3 =	vor.u32 v3, v4  }
0x62: {  	v4 =	vperm.xlane v3, v0;
	_ =	sdelay $0x1  }
0x63: {  	v4 =	vadd.s32 v1, v4;
	_ =	sdelay $0x3  }
0x64: {  	s24 =	simm.s32 $0xC200  }
0x65: {  	[tilespmem:s24], [sflag:$0x2] =	stream.indirect_vreg.gather [hbm4b:s1+s3], $0x80, v4, vm0, $0xb8;
	[tilespmem:$0x10200] =	vst v63  }
0x66: {  	s28 =	simm.s32 $0xCA00;
	v3 =	vperm.xlane v3, v2  }
0x67: {  	[tilespmem:s28], [sflag:$0x2] =	stream.indirect_vreg.gather [hbm4b:s4+s3], $0x80, v4, vm0, $0xb8;
	[tilespmem:$0x10200] =	vst v63  }
0x68: {  	s0 =	simm.s32 $0xD200;
	v3 =	vadd.s32 v1, v3  }
0x69: {  	[tilespmem:s0], [sflag:$0x2] =	stream.indirect_vreg.gather [hbm4b:s5+s3], $0x80, v4, vm0, $0xb8;
	[tilespmem:$0x10200] =	vst v63  }
0x6a: {  	s13 =	simm.s32 $0xDA00  }
0x6b: {  	[tilespmem:s13], [sflag:$0x2] =	stream.indirect_vreg.gather [hbm4b:s6+s3], $0x80, v4, vm0, $0xb8;
	[tilespmem:$0x10200] =	vst v63  }
0x6c: {  	s22 =	simm.s32 $0xE200  }
0x6d: {  	[tilespmem:s22], [sflag:$0x2] =	stream.indirect_vreg.gather [hbm4b:s1+s3], $0x80, v3, vm0, $0xb8;
	[tilespmem:$0x10200] =	vst v63  }
0x6e: {  	s23 =	simm.s32 $0xEA00  }
0x6f: {  	[tilespmem:s23], [sflag:$0x2] =	stream.indirect_vreg.gather [hbm4b:s4+s3], $0x80, v3, vm0, $0xb8;
	[tilespmem:$0x10200] =	vst v63  }
0x70: {  	s24 =	simm.s32 $0xF200  }
0x71: {  	[tilespmem:s24], [sflag:$0x2] =	stream.indirect_vreg.gather [hbm4b:s5+s3], $0x80, v3, vm0, $0xb8;
	[tilespmem:$0x10200] =	vst v63  }
0x72: {  	s28 =	simm.s32 $0xFA00  }
0x73: {  	[tilespmem:s28], [sflag:$0x2] =	stream.indirect_vreg.gather [hbm4b:s6+s3], $0x80, v3, vm0, $0xb8;
	[tilespmem:$0x10200] =	vst v63  }
0x74: {  	_ =	swait.ge [sflag:s18], $0x8000  }
0x75: {  	[sflag:s18] =	ssyncset.done $0x0  }
0x76: {  	s0 =	rddreg [dreg:$0x5];
	[sflag:s18] =	ssyncadd.s32 $0xFFFF8000  }
0x77: {  	[hbm4b:s0+s3] =	stream.linear.scatter [tilespmem:s9], [sflag:$0x3], $0x8000, $0x38;
	[tilespmem:$0x10200] =	vst v63  }
0x78: {  	_ =	swait.ge [sflag:s8], $0x8000  }
0x79: {  	[sflag:s8] =	ssyncset.done $0x0  }
0x7a: {  	[sflag:s8] =	ssyncadd.s32 $0xFFFF8000  }
0x7b: {  	v3 =	vld [tilespmem:$0x40];
	_ =	sdelay $0x4  }
0x7c: {  	v36 =	vshll.u32 v3, $0x3  }
0x7d: {  	v3 =	vand.u32 $0x7, v3;
	v4 =	vand.u32 $0xFFFFFFC0, v36  }
0x7e: {  	v3 =	vor.u32 v3, v4  }
0x7f: {  	v4 =	vperm.xlane v3, v0;
	_ =	sdelay $0x1  }
0x80: {  	v4 =	vadd.s32 v1, v4;
	_ =	sdelay $0x4  }
0x81: {  	[tilespmem:s9], [sflag:$0x1] =	stream.indirect_vreg.gather [hbm4b:s1+s3], $0x80, v4, vm0, $0xb8;
	[tilespmem:$0x10200] =	vst v63  }
0x82: {  	s21 =	simm.s32 $0xA00;
	v3 =	vperm.xlane v3, v2  }
0x83: {  	[tilespmem:s21], [sflag:$0x1] =	stream.indirect_vreg.gather [hbm4b:s4+s3], $0x80, v4, vm0, $0xb8;
	[tilespmem:$0x10200] =	vst v63  }
0x84: {  	s2 =	simm.s32 $0x1200;
	v3 =	vadd.s32 v1, v3  }
0x85: {  	[tilespmem:s2], [sflag:$0x1] =	stream.indirect_vreg.gather [hbm4b:s5+s3], $0x80, v4, vm0, $0xb8;
	[tilespmem:$0x10200] =	vst v63  }
0x86: {  	s7 =	simm.s32 $0x1A00  }
0x87: {  	[tilespmem:s7], [sflag:$0x1] =	stream.indirect_vreg.gather [hbm4b:s6+s3], $0x80, v4, vm0, $0xb8;
	[tilespmem:$0x10200] =	vst v63  }
0x88: {  	s10 =	simm.s32 $0x2200  }
0x89: {  	[tilespmem:s10], [sflag:$0x1] =	stream.indirect_vreg.gather [hbm4b:s1+s3], $0x80, v3, vm0, $0xb8;
	[tilespmem:$0x10200] =	vst v63  }
0x8a: {  	s28 =	simm.s32 $0x2A00  }
0x8b: {  	[tilespmem:s28], [sflag:$0x1] =	stream.indirect_vreg.gather [hbm4b:s4+s3], $0x80, v3, vm0, $0xb8;
	[tilespmem:$0x10200] =	vst v63  }
0x8c: {  	s21 =	simm.s32 $0x3200  }
0x8d: {  	[tilespmem:s21], [sflag:$0x1] =	stream.indirect_vreg.gather [hbm4b:s5+s3], $0x80, v3, vm0, $0xb8;
	[tilespmem:$0x10200] =	vst v63  }
0x8e: {  	s22 =	simm.s32 $0x3A00  }
0x8f: {  	[tilespmem:s22], [sflag:$0x1] =	stream.indirect_vreg.gather [hbm4b:s6+s3], $0x80, v3, vm0, $0xb8;
	[tilespmem:$0x10200] =	vst v63  }
0x90: {  	v3 =	vld [tilespmem:$0x50];
	_ =	sdelay $0x4  }
0x91: {  	v37 =	vshll.u32 v3, $0x3  }
0x92: {  	v3 =	vand.u32 $0x7, v3;
	v4 =	vand.u32 $0xFFFFFFC0, v37  }
0x93: {  	v3 =	vor.u32 v3, v4  }
0x94: {  	v4 =	vperm.xlane v3, v0;
	_ =	sdelay $0x1  }
0x95: {  	v4 =	vadd.s32 v1, v4;
	_ =	sdelay $0x3  }
0x96: {  	s23 =	simm.s32 $0x4200  }
0x97: {  	[tilespmem:s23], [sflag:$0x1] =	stream.indirect_vreg.gather [hbm4b:s1+s3], $0x80, v4, vm0, $0xb8;
	[tilespmem:$0x10200] =	vst v63  }
0x98: {  	s24 =	simm.s32 $0x4A00;
	v3 =	vperm.xlane v3, v2  }
0x99: {  	[tilespmem:s24], [sflag:$0x1] =	stream.indirect_vreg.gather [hbm4b:s4+s3], $0x80, v4, vm0, $0xb8;
	[tilespmem:$0x10200] =	vst v63  }
0x9a: {  	s11 =	simm.s32 $0x5200;
	v3 =	vadd.s32 v1, v3  }
0x9b: {  	[tilespmem:s11], [sflag:$0x1] =	stream.indirect_vreg.gather [hbm4b:s5+s3], $0x80, v4, vm0, $0xb8;
	[tilespmem:$0x10200] =	vst v63  }
0x9c: {  	s12 =	simm.s32 $0x5A00  }
0x9d: {  	[tilespmem:s12], [sflag:$0x1] =	stream.indirect_vreg.gather [hbm4b:s6+s3], $0x80, v4, vm0, $0xb8;
	[tilespmem:$0x10200] =	vst v63  }
0x9e: {  	s10 =	simm.s32 $0x6200  }
0x9f: {  	[tilespmem:s10], [sflag:$0x1] =	stream.indirect_vreg.gather [hbm4b:s1+s3], $0x80, v3, vm0, $0xb8;
	[tilespmem:$0x10200] =	vst v63  }
0xa0: {  	s7 =	simm.s32 $0x6A00  }
0xa1: {  	[tilespmem:s7], [sflag:$0x1] =	stream.indirect_vreg.gather [hbm4b:s4+s3], $0x80, v3, vm0, $0xb8;
	[tilespmem:$0x10200] =	vst v63  }
0xa2: {  	s11 =	simm.s32 $0x7200  }
0xa3: {  	[tilespmem:s11], [sflag:$0x1] =	stream.indirect_vreg.gather [hbm4b:s5+s3], $0x80, v3, vm0, $0xb8;
	[tilespmem:$0x10200] =	vst v63  }
0xa4: {  	s12 =	simm.s32 $0x7A00  }
0xa5: {  	[tilespmem:s12], [sflag:$0x1] =	stream.indirect_vreg.gather [hbm4b:s6+s3], $0x80, v3, vm0, $0xb8;
	[tilespmem:$0x10200] =	vst v63  }
0xa6: {  	_ =	swait.ge [sflag:s19], $0x8000  }
0xa7: {  	[sflag:s19] =	ssyncset.done $0x0  }
0xa8: {  	s2 =	rddreg [dreg:$0x6];
	[sflag:s19] =	ssyncadd.s32 $0xFFFF8000  }
0xa9: {  	[hbm4b:s2+s3] =	stream.linear.scatter [tilespmem:s25], [sflag:$0x3], $0x8000, $0x38;
	[tilespmem:$0x10200] =	vst v63  }
0xaa: {  	_ =	swait.ge [sflag:s8], $0x8000  }
0xab: {  	[sflag:s8] =	ssyncset.done $0x0  }
0xac: {  	[sflag:s8] =	ssyncadd.s32 $0xFFFF8000  }
0xad: {  	v3 =	vld [tilespmem:$0x60];
	_ =	sdelay $0x4  }
0xae: {  	v38 =	vshll.u32 v3, $0x3  }
0xaf: {  	v3 =	vand.u32 $0x7, v3;
	v4 =	vand.u32 $0xFFFFFFC0, v38  }
0xb0: {  	v3 =	vor.u32 v3, v4  }
0xb1: {  	v4 =	vperm.xlane v3, v0;
	_ =	sdelay $0x1  }
0xb2: {  	v4 =	vadd.s32 v1, v4;
	_ =	sdelay $0x4  }
0xb3: {  	[tilespmem:s25], [sflag:$0x2] =	stream.indirect_vreg.gather [hbm4b:s1+s3], $0x80, v4, vm0, $0xb8;
	[tilespmem:$0x10200] =	vst v63  }
0xb4: {  	s14 =	simm.s32 $0x8A00;
	v3 =	vperm.xlane v3, v2  }
0xb5: {  	[tilespmem:s14], [sflag:$0x2] =	stream.indirect_vreg.gather [hbm4b:s4+s3], $0x80, v4, vm0, $0xb8;
	[tilespmem:$0x10200] =	vst v63  }
0xb6: {  	s0 =	simm.s32 $0x9200;
	v3 =	vadd.s32 v1, v3  }
0xb7: {  	[tilespmem:s0], [sflag:$0x2] =	stream.indirect_vreg.gather [hbm4b:s5+s3], $0x80, v4, vm0, $0xb8;
	[tilespmem:$0x10200] =	vst v63  }
0xb8: {  	s2 =	simm.s32 $0x9A00  }
0xb9: {  	[tilespmem:s2], [sflag:$0x2] =	stream.indirect_vreg.gather [hbm4b:s6+s3], $0x80, v4, vm0, $0xb8;
	[tilespmem:$0x10200] =	vst v63  }
0xba: {  	s31 =	simm.s32 $0xA200  }
0xbb: {  	[tilespmem:s31], [sflag:$0x2] =	stream.indirect_vreg.gather [hbm4b:s1+s3], $0x80, v3, vm0, $0xb8;
	[tilespmem:$0x10200] =	vst v63  }
0xbc: {  	s29 =	simm.s32 $0xAA00  }
0xbd: {  	[tilespmem:s29], [sflag:$0x2] =	stream.indirect_vreg.gather [hbm4b:s4+s3], $0x80, v3, vm0, $0xb8;
	[tilespmem:$0x10200] =	vst v63  }
0xbe: {  	s30 =	simm.s32 $0xB200  }
0xbf: {  	[tilespmem:s30], [sflag:$0x2] =	stream.indirect_vreg.gather [hbm4b:s5+s3], $0x80, v3, vm0, $0xb8;
	[tilespmem:$0x10200] =	vst v63  }
0xc0: {  	s15 =	simm.s32 $0xBA00  }
0xc1: {  	[tilespmem:s15], [sflag:$0x2] =	stream.indirect_vreg.gather [hbm4b:s6+s3], $0x80, v3, vm0, $0xb8;
	[tilespmem:$0x10200] =	vst v63  }
0xc2: {  	v3 =	vld [tilespmem:$0x70];
	_ =	sdelay $0x4  }
0xc3: {  	v39 =	vshll.u32 v3, $0x3  }
0xc4: {  	v3 =	vand.u32 $0x7, v3;
	v4 =	vand.u32 $0xFFFFFFC0, v39  }
0xc5: {  	v3 =	vor.u32 v3, v4  }
0xc6: {  	v4 =	vperm.xlane v3, v0;
	_ =	sdelay $0x1  }
0xc7: {  	v4 =	vadd.s32 v1, v4;
	_ =	sdelay $0x3  }
0xc8: {  	s16 =	simm.s32 $0xC200  }
0xc9: {  	[tilespmem:s16], [sflag:$0x2] =	stream.indirect_vreg.gather [hbm4b:s1+s3], $0x80, v4, vm0, $0xb8;
	[tilespmem:$0x10200] =	vst v63  }
0xca: {  	s17 =	simm.s32 $0xCA00;
	v3 =	vperm.xlane v3, v2  }
0xcb: {  	[tilespmem:s17], [sflag:$0x2] =	stream.indirect_vreg.gather [hbm4b:s4+s3], $0x80, v4, vm0, $0xb8;
	[tilespmem:$0x10200] =	vst v63  }
0xcc: {  	v3 =	vadd.s32 v1, v3;
	s17 =	simm.s32 $0xD200  }
0xcd: {  	[tilespmem:s17], [sflag:$0x2] =	stream.indirect_vreg.gather [hbm4b:s5+s3], $0x80, v4, vm0, $0xb8;
	[tilespmem:$0x10200] =	vst v63  }
0xce: {  	s20 =	simm.s32 $0xDA00  }
0xcf: {  	[tilespmem:s20], [sflag:$0x2] =	stream.indirect_vreg.gather [hbm4b:s6+s3], $0x80, v4, vm0, $0xb8;
	[tilespmem:$0x10200] =	vst v63  }
0xd0: {  	s30 =	simm.s32 $0xE200  }
0xd1: {  	[tilespmem:s30], [sflag:$0x2] =	stream.indirect_vreg.gather [hbm4b:s1+s3], $0x80, v3, vm0, $0xb8;
	[tilespmem:$0x10200] =	vst v63  }
0xd2: {  	s31 =	simm.s32 $0xEA00  }
0xd3: {  	[tilespmem:s31], [sflag:$0x2] =	stream.indirect_vreg.gather [hbm4b:s4+s3], $0x80, v3, vm0, $0xb8;
	[tilespmem:$0x10200] =	vst v63  }
0xd4: {  	s30 =	simm.s32 $0xF200  }
0xd5: {  	[tilespmem:s30], [sflag:$0x2] =	stream.indirect_vreg.gather [hbm4b:s5+s3], $0x80, v3, vm0, $0xb8;
	[tilespmem:$0x10200] =	vst v63  }
0xd6: {  	s13 =	simm.s32 $0xFA00  }
0xd7: {  	[tilespmem:s13], [sflag:$0x2] =	stream.indirect_vreg.gather [hbm4b:s6+s3], $0x80, v3, vm0, $0xb8;
	[tilespmem:$0x10200] =	vst v63  }
0xd8: {  	_ =	swait.ge [sflag:s18], $0x8000  }
0xd9: {  	[sflag:s18] =	ssyncset.done $0x0  }
0xda: {  	s20 =	rddreg [dreg:$0x7];
	[sflag:s18] =	ssyncadd.s32 $0xFFFF8000  }
0xdb: {  	[hbm4b:s20+s3] =	stream.linear.scatter [tilespmem:s9], [sflag:$0x3], $0x8000, $0x38;
	[tilespmem:$0x10200] =	vst v63  }
0xdc: {  	_ =	swait.ge [sflag:s8], $0x8000  }
0xdd: {  	[sflag:s8] =	ssyncset.done $0x0  }
0xde: {  	[sflag:s8] =	ssyncadd.s32 $0xFFFF8000  }
0xdf: {  	v3 =	vld [tilespmem:$0x80];
	_ =	sdelay $0x4  }
0xe0: {  	v40 =	vshll.u32 v3, $0x3  }
0xe1: {  	v3 =	vand.u32 $0x7, v3;
	v4 =	vand.u32 $0xFFFFFFC0, v40  }
0xe2: {  	v3 =	vor.u32 v3, v4  }
0xe3: {  	v4 =	vperm.xlane v3, v0;
	_ =	sdelay $0x1  }
0xe4: {  	v4 =	vadd.s32 v1, v4;
	_ =	sdelay $0x4  }
0xe5: {  	[tilespmem:s9], [sflag:$0x1] =	stream.indirect_vreg.gather [hbm4b:s1+s3], $0x80, v4, vm0, $0xb8;
	[tilespmem:$0x10200] =	vst v63  }
0xe6: {  	s20 =	simm.s32 $0xA00;
	v3 =	vperm.xlane v3, v2  }
0xe7: {  	[tilespmem:s20], [sflag:$0x1] =	stream.indirect_vreg.gather [hbm4b:s4+s3], $0x80, v4, vm0, $0xb8;
	[tilespmem:$0x10200] =	vst v63  }
0xe8: {  	v3 =	vadd.s32 v1, v3;
	s20 =	simm.s32 $0x1200  }
0xe9: {  	[tilespmem:s20], [sflag:$0x1] =	stream.indirect_vreg.gather [hbm4b:s5+s3], $0x80, v4, vm0, $0xb8;
	[tilespmem:$0x10200] =	vst v63  }
0xea: {  	s20 =	simm.s32 $0x1A00  }
0xeb: {  	[tilespmem:s20], [sflag:$0x1] =	stream.indirect_vreg.gather [hbm4b:s6+s3], $0x80, v4, vm0, $0xb8;
	[tilespmem:$0x10200] =	vst v63  }
0xec: {  	s20 =	simm.s32 $0x2200  }
0xed: {  	[tilespmem:s20], [sflag:$0x1] =	stream.indirect_vreg.gather [hbm4b:s1+s3], $0x80, v3, vm0, $0xb8;
	[tilespmem:$0x10200] =	vst v63  }
0xee: {  	_ = 	snop  }
0xef: {  	[tilespmem:s28], [sflag:$0x1] =	stream.indirect_vreg.gather [hbm4b:s4+s3], $0x80, v3, vm0, $0xb8;
	[tilespmem:$0x10200] =	vst v63  }
0xf0: {  	_ = 	snop  }
0xf1: {  	[tilespmem:s21], [sflag:$0x1] =	stream.indirect_vreg.gather [hbm4b:s5+s3], $0x80, v3, vm0, $0xb8;
	[tilespmem:$0x10200] =	vst v63  }
0xf2: {  	_ = 	snop  }
0xf3: {  	[tilespmem:s22], [sflag:$0x1] =	stream.indirect_vreg.gather [hbm4b:s6+s3], $0x80, v3, vm0, $0xb8;
	[tilespmem:$0x10200] =	vst v63  }
0xf4: {  	v3 =	vld [tilespmem:$0x90];
	_ =	sdelay $0x4  }
0xf5: {  	v41 =	vshll.u32 v3, $0x3  }
0xf6: {  	v3 =	vand.u32 $0x7, v3;
	v4 =	vand.u32 $0xFFFFFFC0, v41  }
0xf7: {  	v3 =	vor.u32 v3, v4  }
0xf8: {  	v4 =	vperm.xlane v3, v0;
	_ =	sdelay $0x1  }
0xf9: {  	v4 =	vadd.s32 v1, v4;
	_ =	sdelay $0x4  }
0xfa: {  	[tilespmem:s23], [sflag:$0x1] =	stream.indirect_vreg.gather [hbm4b:s1+s3], $0x80, v4, vm0, $0xb8;
	[tilespmem:$0x10200] =	vst v63  }
0xfb: {  	v3 =	vperm.xlane v3, v2  }
0xfc: {  	[tilespmem:s24], [sflag:$0x1] =	stream.indirect_vreg.gather [hbm4b:s4+s3], $0x80, v4, vm0, $0xb8;
	[tilespmem:$0x10200] =	vst v63  }
0xfd: {  	s20 =	simm.s32 $0x5200;
	v3 =	vadd.s32 v1, v3  }
0xfe: {  	[tilespmem:s20], [sflag:$0x1] =	stream.indirect_vreg.gather [hbm4b:s5+s3], $0x80, v4, vm0, $0xb8;
	[tilespmem:$0x10200] =	vst v63  }
0xff: {  	s20 =	simm.s32 $0x5A00  }
0x100: {  	[tilespmem:s20], [sflag:$0x1] =	stream.indirect_vreg.gather [hbm4b:s6+s3], $0x80, v4, vm0, $0xb8;
	[tilespmem:$0x10200] =	vst v63  }
0x101: {  	_ = 	snop  }
0x102: {  	[tilespmem:s10], [sflag:$0x1] =	stream.indirect_vreg.gather [hbm4b:s1+s3], $0x80, v3, vm0, $0xb8;
	[tilespmem:$0x10200] =	vst v63  }
0x103: {  	_ = 	snop  }
0x104: {  	[tilespmem:s7], [sflag:$0x1] =	stream.indirect_vreg.gather [hbm4b:s4+s3], $0x80, v3, vm0, $0xb8;
	[tilespmem:$0x10200] =	vst v63  }
0x105: {  	_ = 	snop  }
0x106: {  	[tilespmem:s11], [sflag:$0x1] =	stream.indirect_vreg.gather [hbm4b:s5+s3], $0x80, v3, vm0, $0xb8;
	[tilespmem:$0x10200] =	vst v63  }
0x107: {  	_ = 	snop  }
0x108: {  	[tilespmem:s12], [sflag:$0x1] =	stream.indirect_vreg.gather [hbm4b:s6+s3], $0x80, v3, vm0, $0xb8;
	[tilespmem:$0x10200] =	vst v63  }
0x109: {  	_ =	swait.ge [sflag:s19], $0x8000  }
0x10a: {  	[sflag:s19] =	ssyncset.done $0x0  }
0x10b: {  	s20 =	rddreg [dreg:$0x8];
	[sflag:s19] =	ssyncadd.s32 $0xFFFF8000  }
0x10c: {  	[hbm4b:s20+s3] =	stream.linear.scatter [tilespmem:s25], [sflag:$0x3], $0x8000, $0x38;
	[tilespmem:$0x10200] =	vst v63  }
0x10d: {  	_ =	swait.ge [sflag:s8], $0x8000  }
0x10e: {  	[sflag:s8] =	ssyncset.done $0x0  }
0x10f: {  	[sflag:s8] =	ssyncadd.s32 $0xFFFF8000  }
0x110: {  	v3 =	vld [tilespmem:$0xA0];
	_ =	sdelay $0x4  }
0x111: {  	v42 =	vshll.u32 v3, $0x3  }
0x112: {  	v3 =	vand.u32 $0x7, v3;
	v4 =	vand.u32 $0xFFFFFFC0, v42  }
0x113: {  	v3 =	vor.u32 v3, v4  }
0x114: {  	v4 =	vperm.xlane v3, v0;
	_ =	sdelay $0x1  }
0x115: {  	v4 =	vadd.s32 v1, v4;
	_ =	sdelay $0x4  }
0x116: {  	[tilespmem:s25], [sflag:$0x2] =	stream.indirect_vreg.gather [hbm4b:s1+s3], $0x80, v4, vm0, $0xb8;
	[tilespmem:$0x10200] =	vst v63  }
0x117: {  	s20 =	simm.s32 $0x8A00;
	v3 =	vperm.xlane v3, v2  }
0x118: {  	[tilespmem:s20], [sflag:$0x2] =	stream.indirect_vreg.gather [hbm4b:s4+s3], $0x80, v4, vm0, $0xb8;
	[tilespmem:$0x10200] =	vst v63  }
0x119: {  	v3 =	vadd.s32 v1, v3  }
0x11a: {  	[tilespmem:s0], [sflag:$0x2] =	stream.indirect_vreg.gather [hbm4b:s5+s3], $0x80, v4, vm0, $0xb8;
	[tilespmem:$0x10200] =	vst v63  }
0x11b: {  	_ = 	snop  }
0x11c: {  	[tilespmem:s2], [sflag:$0x2] =	stream.indirect_vreg.gather [hbm4b:s6+s3], $0x80, v4, vm0, $0xb8;
	[tilespmem:$0x10200] =	vst v63  }
0x11d: {  	s20 =	simm.s32 $0xA200  }
0x11e: {  	[tilespmem:s20], [sflag:$0x2] =	stream.indirect_vreg.gather [hbm4b:s1+s3], $0x80, v3, vm0, $0xb8;
	[tilespmem:$0x10200] =	vst v63  }
0x11f: {  	s14 =	simm.s32 $0xAA00  }
0x120: {  	[tilespmem:s14], [sflag:$0x2] =	stream.indirect_vreg.gather [hbm4b:s4+s3], $0x80, v3, vm0, $0xb8;
	[tilespmem:$0x10200] =	vst v63  }
0x121: {  	s29 =	simm.s32 $0xB200  }
0x122: {  	[tilespmem:s29], [sflag:$0x2] =	stream.indirect_vreg.gather [hbm4b:s5+s3], $0x80, v3, vm0, $0xb8;
	[tilespmem:$0x10200] =	vst v63  }
0x123: {  	s20 =	simm.s32 $0xBA00  }
0x124: {  	[tilespmem:s20], [sflag:$0x2] =	stream.indirect_vreg.gather [hbm4b:s6+s3], $0x80, v3, vm0, $0xb8;
	[tilespmem:$0x10200] =	vst v63  }
0x125: {  	v3 =	vld [tilespmem:$0xB0];
	_ =	sdelay $0x4  }
0x126: {  	v43 =	vshll.u32 v3, $0x3  }
0x127: {  	v3 =	vand.u32 $0x7, v3;
	v4 =	vand.u32 $0xFFFFFFC0, v43  }
0x128: {  	v3 =	vor.u32 v3, v4  }
0x129: {  	v4 =	vperm.xlane v3, v0;
	_ =	sdelay $0x1  }
0x12a: {  	v4 =	vadd.s32 v1, v4;
	_ =	sdelay $0x3  }
0x12b: {  	s20 =	simm.s32 $0xC200  }
0x12c: {  	[tilespmem:s20], [sflag:$0x2] =	stream.indirect_vreg.gather [hbm4b:s1+s3], $0x80, v4, vm0, $0xb8;
	[tilespmem:$0x10200] =	vst v63  }
0x12d: {  	v3 =	vperm.xlane v3, v2;
	s20 =	simm.s32 $0xCA00  }
0x12e: {  	[tilespmem:s20], [sflag:$0x2] =	stream.indirect_vreg.gather [hbm4b:s4+s3], $0x80, v4, vm0, $0xb8;
	[tilespmem:$0x10200] =	vst v63  }
0x12f: {  	s15 =	simm.s32 $0xD200;
	v3 =	vadd.s32 v1, v3  }
0x130: {  	[tilespmem:s15], [sflag:$0x2] =	stream.indirect_vreg.gather [hbm4b:s5+s3], $0x80, v4, vm0, $0xb8;
	[tilespmem:$0x10200] =	vst v63  }
0x131: {  	s17 =	simm.s32 $0xDA00  }
0x132: {  	[tilespmem:s17], [sflag:$0x2] =	stream.indirect_vreg.gather [hbm4b:s6+s3], $0x80, v4, vm0, $0xb8;
	[tilespmem:$0x10200] =	vst v63  }
0x133: {  	s16 =	simm.s32 $0xE200  }
0x134: {  	[tilespmem:s16], [sflag:$0x2] =	stream.indirect_vreg.gather [hbm4b:s1+s3], $0x80, v3, vm0, $0xb8;
	[tilespmem:$0x10200] =	vst v63  }
0x135: {  	s31 =	simm.s32 $0xEA00  }
0x136: {  	[tilespmem:s31], [sflag:$0x2] =	stream.indirect_vreg.gather [hbm4b:s4+s3], $0x80, v3, vm0, $0xb8;
	[tilespmem:$0x10200] =	vst v63  }
0x137: {  	s30 =	simm.s32 $0xF200  }
0x138: {  	[tilespmem:s30], [sflag:$0x2] =	stream.indirect_vreg.gather [hbm4b:s5+s3], $0x80, v3, vm0, $0xb8;
	[tilespmem:$0x10200] =	vst v63  }
0x139: {  	s13 =	simm.s32 $0xFA00  }
0x13a: {  	[tilespmem:s13], [sflag:$0x2] =	stream.indirect_vreg.gather [hbm4b:s6+s3], $0x80, v3, vm0, $0xb8;
	[tilespmem:$0x10200] =	vst v63  }
0x13b: {  	_ =	swait.ge [sflag:s18], $0x8000  }
0x13c: {  	[sflag:s18] =	ssyncset.done $0x0  }
0x13d: {  	s20 =	rddreg [dreg:$0x9];
	[sflag:s18] =	ssyncadd.s32 $0xFFFF8000  }
0x13e: {  	[hbm4b:s20+s3] =	stream.linear.scatter [tilespmem:s9], [sflag:$0x3], $0x8000, $0x38;
	[tilespmem:$0x10200] =	vst v63  }
0x13f: {  	_ =	swait.ge [sflag:s8], $0x8000  }
0x140: {  	[sflag:s8] =	ssyncset.done $0x0  }
0x141: {  	[sflag:s8] =	ssyncadd.s32 $0xFFFF8000  }
0x142: {  	v3 =	vld [tilespmem:$0xC0];
	_ =	sdelay $0x4  }
0x143: {  	v44 =	vshll.u32 v3, $0x3  }
0x144: {  	v3 =	vand.u32 $0x7, v3;
	v4 =	vand.u32 $0xFFFFFFC0, v44  }
0x145: {  	v3 =	vor.u32 v3, v4  }
0x146: {  	v4 =	vperm.xlane v3, v0;
	_ =	sdelay $0x1  }
0x147: {  	v4 =	vadd.s32 v1, v4;
	_ =	sdelay $0x4  }
0x148: {  	[tilespmem:s9], [sflag:$0x1] =	stream.indirect_vreg.gather [hbm4b:s1+s3], $0x80, v4, vm0, $0xb8;
	[tilespmem:$0x10200] =	vst v63  }
0x149: {  	s20 =	simm.s32 $0xA00;
	v3 =	vperm.xlane v3, v2  }
0x14a: {  	[tilespmem:s20], [sflag:$0x1] =	stream.indirect_vreg.gather [hbm4b:s4+s3], $0x80, v4, vm0, $0xb8;
	[tilespmem:$0x10200] =	vst v63  }
0x14b: {  	v3 =	vadd.s32 v1, v3;
	s20 =	simm.s32 $0x1200  }
0x14c: {  	[tilespmem:s20], [sflag:$0x1] =	stream.indirect_vreg.gather [hbm4b:s5+s3], $0x80, v4, vm0, $0xb8;
	[tilespmem:$0x10200] =	vst v63  }
0x14d: {  	s20 =	simm.s32 $0x1A00  }
0x14e: {  	[tilespmem:s20], [sflag:$0x1] =	stream.indirect_vreg.gather [hbm4b:s6+s3], $0x80, v4, vm0, $0xb8;
	[tilespmem:$0x10200] =	vst v63  }
0x14f: {  	s20 =	simm.s32 $0x2200  }
0x150: {  	[tilespmem:s20], [sflag:$0x1] =	stream.indirect_vreg.gather [hbm4b:s1+s3], $0x80, v3, vm0, $0xb8;
	[tilespmem:$0x10200] =	vst v63  }
0x151: {  	s28 =	simm.s32 $0x2A00  }
0x152: {  	[tilespmem:s28], [sflag:$0x1] =	stream.indirect_vreg.gather [hbm4b:s4+s3], $0x80, v3, vm0, $0xb8;
	[tilespmem:$0x10200] =	vst v63  }
0x153: {  	s21 =	simm.s32 $0x3200  }
0x154: {  	[tilespmem:s21], [sflag:$0x1] =	stream.indirect_vreg.gather [hbm4b:s5+s3], $0x80, v3, vm0, $0xb8;
	[tilespmem:$0x10200] =	vst v63  }
0x155: {  	s22 =	simm.s32 $0x3A00  }
0x156: {  	[tilespmem:s22], [sflag:$0x1] =	stream.indirect_vreg.gather [hbm4b:s6+s3], $0x80, v3, vm0, $0xb8;
	[tilespmem:$0x10200] =	vst v63  }
0x157: {  	v3 =	vld [tilespmem:$0xD0];
	_ =	sdelay $0x4  }
0x158: {  	v45 =	vshll.u32 v3, $0x3  }
0x159: {  	v3 =	vand.u32 $0x7, v3;
	v4 =	vand.u32 $0xFFFFFFC0, v45  }
0x15a: {  	v3 =	vor.u32 v3, v4  }
0x15b: {  	v4 =	vperm.xlane v3, v0;
	_ =	sdelay $0x1  }
0x15c: {  	v4 =	vadd.s32 v1, v4;
	_ =	sdelay $0x3  }
0x15d: {  	s23 =	simm.s32 $0x4200  }
0x15e: {  	[tilespmem:s23], [sflag:$0x1] =	stream.indirect_vreg.gather [hbm4b:s1+s3], $0x80, v4, vm0, $0xb8;
	[tilespmem:$0x10200] =	vst v63  }
0x15f: {  	s24 =	simm.s32 $0x4A00;
	v3 =	vperm.xlane v3, v2  }
0x160: {  	[tilespmem:s24], [sflag:$0x1] =	stream.indirect_vreg.gather [hbm4b:s4+s3], $0x80, v4, vm0, $0xb8;
	[tilespmem:$0x10200] =	vst v63  }
0x161: {  	s20 =	simm.s32 $0x5200;
	v3 =	vadd.s32 v1, v3  }
0x162: {  	[tilespmem:s20], [sflag:$0x1] =	stream.indirect_vreg.gather [hbm4b:s5+s3], $0x80, v4, vm0, $0xb8;
	[tilespmem:$0x10200] =	vst v63  }
0x163: {  	s20 =	simm.s32 $0x5A00  }
0x164: {  	[tilespmem:s20], [sflag:$0x1] =	stream.indirect_vreg.gather [hbm4b:s6+s3], $0x80, v4, vm0, $0xb8;
	[tilespmem:$0x10200] =	vst v63  }
0x165: {  	s10 =	simm.s32 $0x6200  }
0x166: {  	[tilespmem:s10], [sflag:$0x1] =	stream.indirect_vreg.gather [hbm4b:s1+s3], $0x80, v3, vm0, $0xb8;
	[tilespmem:$0x10200] =	vst v63  }
0x167: {  	s7 =	simm.s32 $0x6A00  }
0x168: {  	[tilespmem:s7], [sflag:$0x1] =	stream.indirect_vreg.gather [hbm4b:s4+s3], $0x80, v3, vm0, $0xb8;
	[tilespmem:$0x10200] =	vst v63  }
0x169: {  	s11 =	simm.s32 $0x7200  }
0x16a: {  	[tilespmem:s11], [sflag:$0x1] =	stream.indirect_vreg.gather [hbm4b:s5+s3], $0x80, v3, vm0, $0xb8;
	[tilespmem:$0x10200] =	vst v63  }
0x16b: {  	s12 =	simm.s32 $0x7A00  }
0x16c: {  	[tilespmem:s12], [sflag:$0x1] =	stream.indirect_vreg.gather [hbm4b:s6+s3], $0x80, v3, vm0, $0xb8;
	[tilespmem:$0x10200] =	vst v63  }
0x16d: {  	_ =	swait.ge [sflag:s19], $0x8000  }
0x16e: {  	[sflag:s19] =	ssyncset.done $0x0  }
0x16f: {  	s20 =	rddreg [dreg:$0xa];
	[sflag:s19] =	ssyncadd.s32 $0xFFFF8000  }
0x170: {  	[hbm4b:s20+s3] =	stream.linear.scatter [tilespmem:s25], [sflag:$0x3], $0x8000, $0x38;
	[tilespmem:$0x10200] =	vst v63  }
0x171: {  	_ =	swait.ge [sflag:s8], $0x8000  }
0x172: {  	[sflag:s8] =	ssyncset.done $0x0  }
0x173: {  	[sflag:s8] =	ssyncadd.s32 $0xFFFF8000  }
0x174: {  	v3 =	vld [tilespmem:$0xE0];
	_ =	sdelay $0x4  }
0x175: {  	v46 =	vshll.u32 v3, $0x3  }
0x176: {  	v3 =	vand.u32 $0x7, v3;
	v4 =	vand.u32 $0xFFFFFFC0, v46  }
0x177: {  	v3 =	vor.u32 v3, v4  }
0x178: {  	v4 =	vperm.xlane v3, v0;
	_ =	sdelay $0x1  }
0x179: {  	v4 =	vadd.s32 v1, v4;
	_ =	sdelay $0x4  }
0x17a: {  	[tilespmem:s25], [sflag:$0x2] =	stream.indirect_vreg.gather [hbm4b:s1+s3], $0x80, v4, vm0, $0xb8;
	[tilespmem:$0x10200] =	vst v63  }
0x17b: {  	s20 =	simm.s32 $0x8A00;
	v3 =	vperm.xlane v3, v2  }
0x17c: {  	[tilespmem:s20], [sflag:$0x2] =	stream.indirect_vreg.gather [hbm4b:s4+s3], $0x80, v4, vm0, $0xb8;
	[tilespmem:$0x10200] =	vst v63  }
0x17d: {  	s0 =	simm.s32 $0x9200;
	v3 =	vadd.s32 v1, v3  }
0x17e: {  	[tilespmem:s0], [sflag:$0x2] =	stream.indirect_vreg.gather [hbm4b:s5+s3], $0x80, v4, vm0, $0xb8;
	[tilespmem:$0x10200] =	vst v63  }
0x17f: {  	s2 =	simm.s32 $0x9A00  }
0x180: {  	[tilespmem:s2], [sflag:$0x2] =	stream.indirect_vreg.gather [hbm4b:s6+s3], $0x80, v4, vm0, $0xb8;
	[tilespmem:$0x10200] =	vst v63  }
0x181: {  	s20 =	simm.s32 $0xA200  }
0x182: {  	[tilespmem:s20], [sflag:$0x2] =	stream.indirect_vreg.gather [hbm4b:s1+s3], $0x80, v3, vm0, $0xb8;
	[tilespmem:$0x10200] =	vst v63  }
0x183: {  	s14 =	simm.s32 $0xAA00  }
0x184: {  	[tilespmem:s14], [sflag:$0x2] =	stream.indirect_vreg.gather [hbm4b:s4+s3], $0x80, v3, vm0, $0xb8;
	[tilespmem:$0x10200] =	vst v63  }
0x185: {  	s29 =	simm.s32 $0xB200  }
0x186: {  	[tilespmem:s29], [sflag:$0x2] =	stream.indirect_vreg.gather [hbm4b:s5+s3], $0x80, v3, vm0, $0xb8;
	[tilespmem:$0x10200] =	vst v63  }
0x187: {  	s20 =	simm.s32 $0xBA00  }
0x188: {  	[tilespmem:s20], [sflag:$0x2] =	stream.indirect_vreg.gather [hbm4b:s6+s3], $0x80, v3, vm0, $0xb8;
	[tilespmem:$0x10200] =	vst v63  }
0x189: {  	v3 =	vld [tilespmem:$0xF0];
	_ =	sdelay $0x4  }
0x18a: {  	v47 =	vshll.u32 v3, $0x3  }
0x18b: {  	v3 =	vand.u32 $0x7, v3;
	v4 =	vand.u32 $0xFFFFFFC0, v47  }
0x18c: {  	v3 =	vor.u32 v3, v4  }
0x18d: {  	v4 =	vperm.xlane v3, v0;
	_ =	sdelay $0x1  }
0x18e: {  	v4 =	vadd.s32 v1, v4;
	_ =	sdelay $0x3  }
0x18f: {  	s20 =	simm.s32 $0xC200  }
0x190: {  	[tilespmem:s20], [sflag:$0x2] =	stream.indirect_vreg.gather [hbm4b:s1+s3], $0x80, v4, vm0, $0xb8;
	[tilespmem:$0x10200] =	vst v63  }
0x191: {  	v3 =	vperm.xlane v3, v2;
	s20 =	simm.s32 $0xCA00  }
0x192: {  	[tilespmem:s20], [sflag:$0x2] =	stream.indirect_vreg.gather [hbm4b:s4+s3], $0x80, v4, vm0, $0xb8;
	[tilespmem:$0x10200] =	vst v63  }
0x193: {  	s15 =	simm.s32 $0xD200;
	v3 =	vadd.s32 v1, v3  }
0x194: {  	[tilespmem:s15], [sflag:$0x2] =	stream.indirect_vreg.gather [hbm4b:s5+s3], $0x80, v4, vm0, $0xb8;
	[tilespmem:$0x10200] =	vst v63  }
0x195: {  	s17 =	simm.s32 $0xDA00  }
0x196: {  	[tilespmem:s17], [sflag:$0x2] =	stream.indirect_vreg.gather [hbm4b:s6+s3], $0x80, v4, vm0, $0xb8;
	[tilespmem:$0x10200] =	vst v63  }
0x197: {  	s16 =	simm.s32 $0xE200  }
0x198: {  	[tilespmem:s16], [sflag:$0x2] =	stream.indirect_vreg.gather [hbm4b:s1+s3], $0x80, v3, vm0, $0xb8;
	[tilespmem:$0x10200] =	vst v63  }
0x199: {  	s31 =	simm.s32 $0xEA00  }
0x19a: {  	[tilespmem:s31], [sflag:$0x2] =	stream.indirect_vreg.gather [hbm4b:s4+s3], $0x80, v3, vm0, $0xb8;
	[tilespmem:$0x10200] =	vst v63  }
0x19b: {  	s30 =	simm.s32 $0xF200  }
0x19c: {  	[tilespmem:s30], [sflag:$0x2] =	stream.indirect_vreg.gather [hbm4b:s5+s3], $0x80, v3, vm0, $0xb8;
	[tilespmem:$0x10200] =	vst v63  }
0x19d: {  	s13 =	simm.s32 $0xFA00  }
0x19e: {  	[tilespmem:s13], [sflag:$0x2] =	stream.indirect_vreg.gather [hbm4b:s6+s3], $0x80, v3, vm0, $0xb8;
	[tilespmem:$0x10200] =	vst v63  }
0x19f: {  	_ =	swait.ge [sflag:s18], $0x8000  }
0x1a0: {  	[sflag:s18] =	ssyncset.done $0x0  }
0x1a1: {  	s20 =	rddreg [dreg:$0xb];
	[sflag:s18] =	ssyncadd.s32 $0xFFFF8000  }
0x1a2: {  	[hbm4b:s20+s3] =	stream.linear.scatter [tilespmem:s9], [sflag:$0x3], $0x8000, $0x38;
	[tilespmem:$0x10200] =	vst v63  }
0x1a3: {  	_ =	swait.ge [sflag:s8], $0x8000  }
0x1a4: {  	[sflag:s8] =	ssyncset.done $0x0  }
0x1a5: {  	[sflag:s8] =	ssyncadd.s32 $0xFFFF8000  }
0x1a6: {  	v3 =	vld [tilespmem:$0x100];
	_ =	sdelay $0x4  }
0x1a7: {  	v48 =	vshll.u32 v3, $0x3  }
0x1a8: {  	v3 =	vand.u32 $0x7, v3;
	v4 =	vand.u32 $0xFFFFFFC0, v48  }
0x1a9: {  	v3 =	vor.u32 v3, v4  }
0x1aa: {  	v4 =	vperm.xlane v3, v0;
	_ =	sdelay $0x1  }
0x1ab: {  	v4 =	vadd.s32 v1, v4;
	_ =	sdelay $0x4  }
0x1ac: {  	[tilespmem:s9], [sflag:$0x1] =	stream.indirect_vreg.gather [hbm4b:s1+s3], $0x80, v4, vm0, $0xb8;
	[tilespmem:$0x10200] =	vst v63  }
0x1ad: {  	s20 =	simm.s32 $0xA00;
	v3 =	vperm.xlane v3, v2  }
0x1ae: {  	[tilespmem:s20], [sflag:$0x1] =	stream.indirect_vreg.gather [hbm4b:s4+s3], $0x80, v4, vm0, $0xb8;
	[tilespmem:$0x10200] =	vst v63  }
0x1af: {  	v3 =	vadd.s32 v1, v3;
	s20 =	simm.s32 $0x1200  }
0x1b0: {  	[tilespmem:s20], [sflag:$0x1] =	stream.indirect_vreg.gather [hbm4b:s5+s3], $0x80, v4, vm0, $0xb8;
	[tilespmem:$0x10200] =	vst v63  }
0x1b1: {  	s20 =	simm.s32 $0x1A00  }
0x1b2: {  	[tilespmem:s20], [sflag:$0x1] =	stream.indirect_vreg.gather [hbm4b:s6+s3], $0x80, v4, vm0, $0xb8;
	[tilespmem:$0x10200] =	vst v63  }
0x1b3: {  	s20 =	simm.s32 $0x2200  }
0x1b4: {  	[tilespmem:s20], [sflag:$0x1] =	stream.indirect_vreg.gather [hbm4b:s1+s3], $0x80, v3, vm0, $0xb8;
	[tilespmem:$0x10200] =	vst v63  }
0x1b5: {  	s28 =	simm.s32 $0x2A00  }
0x1b6: {  	[tilespmem:s28], [sflag:$0x1] =	stream.indirect_vreg.gather [hbm4b:s4+s3], $0x80, v3, vm0, $0xb8;
	[tilespmem:$0x10200] =	vst v63  }
0x1b7: {  	s21 =	simm.s32 $0x3200  }
0x1b8: {  	[tilespmem:s21], [sflag:$0x1] =	stream.indirect_vreg.gather [hbm4b:s5+s3], $0x80, v3, vm0, $0xb8;
	[tilespmem:$0x10200] =	vst v63  }
0x1b9: {  	s22 =	simm.s32 $0x3A00  }
0x1ba: {  	[tilespmem:s22], [sflag:$0x1] =	stream.indirect_vreg.gather [hbm4b:s6+s3], $0x80, v3, vm0, $0xb8;
	[tilespmem:$0x10200] =	vst v63  }
0x1bb: {  	v3 =	vld [tilespmem:$0x110];
	_ =	sdelay $0x4  }
0x1bc: {  	v49 =	vshll.u32 v3, $0x3  }
0x1bd: {  	v3 =	vand.u32 $0x7, v3;
	v4 =	vand.u32 $0xFFFFFFC0, v49  }
0x1be: {  	v3 =	vor.u32 v3, v4  }
0x1bf: {  	v4 =	vperm.xlane v3, v0;
	_ =	sdelay $0x1  }
0x1c0: {  	v4 =	vadd.s32 v1, v4;
	_ =	sdelay $0x3  }
0x1c1: {  	s23 =	simm.s32 $0x4200  }
0x1c2: {  	[tilespmem:s23], [sflag:$0x1] =	stream.indirect_vreg.gather [hbm4b:s1+s3], $0x80, v4, vm0, $0xb8;
	[tilespmem:$0x10200] =	vst v63  }
0x1c3: {  	s24 =	simm.s32 $0x4A00;
	v3 =	vperm.xlane v3, v2  }
0x1c4: {  	[tilespmem:s24], [sflag:$0x1] =	stream.indirect_vreg.gather [hbm4b:s4+s3], $0x80, v4, vm0, $0xb8;
	[tilespmem:$0x10200] =	vst v63  }
0x1c5: {  	s20 =	simm.s32 $0x5200;
	v3 =	vadd.s32 v1, v3  }
0x1c6: {  	[tilespmem:s20], [sflag:$0x1] =	stream.indirect_vreg.gather [hbm4b:s5+s3], $0x80, v4, vm0, $0xb8;
	[tilespmem:$0x10200] =	vst v63  }
0x1c7: {  	s20 =	simm.s32 $0x5A00  }
0x1c8: {  	[tilespmem:s20], [sflag:$0x1] =	stream.indirect_vreg.gather [hbm4b:s6+s3], $0x80, v4, vm0, $0xb8;
	[tilespmem:$0x10200] =	vst v63  }
0x1c9: {  	s10 =	simm.s32 $0x6200  }
0x1ca: {  	[tilespmem:s10], [sflag:$0x1] =	stream.indirect_vreg.gather [hbm4b:s1+s3], $0x80, v3, vm0, $0xb8;
	[tilespmem:$0x10200] =	vst v63  }
0x1cb: {  	s7 =	simm.s32 $0x6A00  }
0x1cc: {  	[tilespmem:s7], [sflag:$0x1] =	stream.indirect_vreg.gather [hbm4b:s4+s3], $0x80, v3, vm0, $0xb8;
	[tilespmem:$0x10200] =	vst v63  }
0x1cd: {  	s11 =	simm.s32 $0x7200  }
0x1ce: {  	[tilespmem:s11], [sflag:$0x1] =	stream.indirect_vreg.gather [hbm4b:s5+s3], $0x80, v3, vm0, $0xb8;
	[tilespmem:$0x10200] =	vst v63  }
0x1cf: {  	s12 =	simm.s32 $0x7A00  }
0x1d0: {  	[tilespmem:s12], [sflag:$0x1] =	stream.indirect_vreg.gather [hbm4b:s6+s3], $0x80, v3, vm0, $0xb8;
	[tilespmem:$0x10200] =	vst v63  }
0x1d1: {  	_ =	swait.ge [sflag:s19], $0x8000  }
0x1d2: {  	[sflag:s19] =	ssyncset.done $0x0  }
0x1d3: {  	s20 =	rddreg [dreg:$0xc];
	[sflag:s19] =	ssyncadd.s32 $0xFFFF8000  }
0x1d4: {  	[hbm4b:s20+s3] =	stream.linear.scatter [tilespmem:s25], [sflag:$0x3], $0x8000, $0x38;
	[tilespmem:$0x10200] =	vst v63  }
0x1d5: {  	_ =	swait.ge [sflag:s8], $0x8000  }
0x1d6: {  	[sflag:s8] =	ssyncset.done $0x0  }
0x1d7: {  	[sflag:s8] =	ssyncadd.s32 $0xFFFF8000  }
0x1d8: {  	v3 =	vld [tilespmem:$0x120];
	_ =	sdelay $0x4  }
0x1d9: {  	v50 =	vshll.u32 v3, $0x3  }
0x1da: {  	v3 =	vand.u32 $0x7, v3;
	v4 =	vand.u32 $0xFFFFFFC0, v50  }
0x1db: {  	v3 =	vor.u32 v3, v4  }
0x1dc: {  	v4 =	vperm.xlane v3, v0;
	_ =	sdelay $0x1  }
0x1dd: {  	v4 =	vadd.s32 v1, v4;
	_ =	sdelay $0x4  }
0x1de: {  	[tilespmem:s25], [sflag:$0x2] =	stream.indirect_vreg.gather [hbm4b:s1+s3], $0x80, v4, vm0, $0xb8;
	[tilespmem:$0x10200] =	vst v63  }
0x1df: {  	s20 =	simm.s32 $0x8A00;
	v3 =	vperm.xlane v3, v2  }
0x1e0: {  	[tilespmem:s20], [sflag:$0x2] =	stream.indirect_vreg.gather [hbm4b:s4+s3], $0x80, v4, vm0, $0xb8;
	[tilespmem:$0x10200] =	vst v63  }
0x1e1: {  	s0 =	simm.s32 $0x9200;
	v3 =	vadd.s32 v1, v3  }
0x1e2: {  	[tilespmem:s0], [sflag:$0x2] =	stream.indirect_vreg.gather [hbm4b:s5+s3], $0x80, v4, vm0, $0xb8;
	[tilespmem:$0x10200] =	vst v63  }
0x1e3: {  	s2 =	simm.s32 $0x9A00  }
0x1e4: {  	[tilespmem:s2], [sflag:$0x2] =	stream.indirect_vreg.gather [hbm4b:s6+s3], $0x80, v4, vm0, $0xb8;
	[tilespmem:$0x10200] =	vst v63  }
0x1e5: {  	s20 =	simm.s32 $0xA200  }
0x1e6: {  	[tilespmem:s20], [sflag:$0x2] =	stream.indirect_vreg.gather [hbm4b:s1+s3], $0x80, v3, vm0, $0xb8;
	[tilespmem:$0x10200] =	vst v63  }
0x1e7: {  	s14 =	simm.s32 $0xAA00  }
0x1e8: {  	[tilespmem:s14], [sflag:$0x2] =	stream.indirect_vreg.gather [hbm4b:s4+s3], $0x80, v3, vm0, $0xb8;
	[tilespmem:$0x10200] =	vst v63  }
0x1e9: {  	s29 =	simm.s32 $0xB200  }
0x1ea: {  	[tilespmem:s29], [sflag:$0x2] =	stream.indirect_vreg.gather [hbm4b:s5+s3], $0x80, v3, vm0, $0xb8;
	[tilespmem:$0x10200] =	vst v63  }
0x1eb: {  	s20 =	simm.s32 $0xBA00  }
0x1ec: {  	[tilespmem:s20], [sflag:$0x2] =	stream.indirect_vreg.gather [hbm4b:s6+s3], $0x80, v3, vm0, $0xb8;
	[tilespmem:$0x10200] =	vst v63  }
0x1ed: {  	v3 =	vld [tilespmem:$0x130];
	_ =	sdelay $0x4  }
0x1ee: {  	v51 =	vshll.u32 v3, $0x3  }
0x1ef: {  	v3 =	vand.u32 $0x7, v3;
	v4 =	vand.u32 $0xFFFFFFC0, v51  }
0x1f0: {  	v3 =	vor.u32 v3, v4  }
0x1f1: {  	v4 =	vperm.xlane v3, v0;
	_ =	sdelay $0x1  }
0x1f2: {  	v4 =	vadd.s32 v1, v4;
	_ =	sdelay $0x3  }
0x1f3: {  	s20 =	simm.s32 $0xC200  }
0x1f4: {  	[tilespmem:s20], [sflag:$0x2] =	stream.indirect_vreg.gather [hbm4b:s1+s3], $0x80, v4, vm0, $0xb8;
	[tilespmem:$0x10200] =	vst v63  }
0x1f5: {  	v3 =	vperm.xlane v3, v2;
	s20 =	simm.s32 $0xCA00  }
0x1f6: {  	[tilespmem:s20], [sflag:$0x2] =	stream.indirect_vreg.gather [hbm4b:s4+s3], $0x80, v4, vm0, $0xb8;
	[tilespmem:$0x10200] =	vst v63  }
0x1f7: {  	s15 =	simm.s32 $0xD200;
	v3 =	vadd.s32 v1, v3  }
0x1f8: {  	[tilespmem:s15], [sflag:$0x2] =	stream.indirect_vreg.gather [hbm4b:s5+s3], $0x80, v4, vm0, $0xb8;
	[tilespmem:$0x10200] =	vst v63  }
0x1f9: {  	s17 =	simm.s32 $0xDA00  }
0x1fa: {  	[tilespmem:s17], [sflag:$0x2] =	stream.indirect_vreg.gather [hbm4b:s6+s3], $0x80, v4, vm0, $0xb8;
	[tilespmem:$0x10200] =	vst v63  }
0x1fb: {  	s16 =	simm.s32 $0xE200  }
0x1fc: {  	[tilespmem:s16], [sflag:$0x2] =	stream.indirect_vreg.gather [hbm4b:s1+s3], $0x80, v3, vm0, $0xb8;
	[tilespmem:$0x10200] =	vst v63  }
0x1fd: {  	s31 =	simm.s32 $0xEA00  }
0x1fe: {  	[tilespmem:s31], [sflag:$0x2] =	stream.indirect_vreg.gather [hbm4b:s4+s3], $0x80, v3, vm0, $0xb8;
	[tilespmem:$0x10200] =	vst v63  }
0x1ff: {  	s30 =	simm.s32 $0xF200  }
0x200: {  	[tilespmem:s30], [sflag:$0x2] =	stream.indirect_vreg.gather [hbm4b:s5+s3], $0x80, v3, vm0, $0xb8;
	[tilespmem:$0x10200] =	vst v63  }
0x201: {  	s13 =	simm.s32 $0xFA00  }
0x202: {  	[tilespmem:s13], [sflag:$0x2] =	stream.indirect_vreg.gather [hbm4b:s6+s3], $0x80, v3, vm0, $0xb8;
	[tilespmem:$0x10200] =	vst v63  }
0x203: {  	_ =	swait.ge [sflag:s18], $0x8000  }
0x204: {  	[sflag:s18] =	ssyncset.done $0x0  }
0x205: {  	s20 =	rddreg [dreg:$0xd];
	[sflag:s18] =	ssyncadd.s32 $0xFFFF8000  }
0x206: {  	[hbm4b:s20+s3] =	stream.linear.scatter [tilespmem:s9], [sflag:$0x3], $0x8000, $0x38;
	[tilespmem:$0x10200] =	vst v63  }
0x207: {  	_ =	swait.ge [sflag:s8], $0x8000  }
0x208: {  	[sflag:s8] =	ssyncset.done $0x0  }
0x209: {  	[sflag:s8] =	ssyncadd.s32 $0xFFFF8000  }
0x20a: {  	v3 =	vld [tilespmem:$0x140];
	_ =	sdelay $0x4  }
0x20b: {  	v52 =	vshll.u32 v3, $0x3  }
0x20c: {  	v3 =	vand.u32 $0x7, v3;
	v4 =	vand.u32 $0xFFFFFFC0, v52  }
0x20d: {  	v3 =	vor.u32 v3, v4  }
0x20e: {  	v4 =	vperm.xlane v3, v0;
	_ =	sdelay $0x1  }
0x20f: {  	v4 =	vadd.s32 v1, v4;
	_ =	sdelay $0x4  }
0x210: {  	[tilespmem:s9], [sflag:$0x1] =	stream.indirect_vreg.gather [hbm4b:s1+s3], $0x80, v4, vm0, $0xb8;
	[tilespmem:$0x10200] =	vst v63  }
0x211: {  	s20 =	simm.s32 $0xA00;
	v3 =	vperm.xlane v3, v2  }
0x212: {  	[tilespmem:s20], [sflag:$0x1] =	stream.indirect_vreg.gather [hbm4b:s4+s3], $0x80, v4, vm0, $0xb8;
	[tilespmem:$0x10200] =	vst v63  }
0x213: {  	v3 =	vadd.s32 v1, v3;
	s20 =	simm.s32 $0x1200  }
0x214: {  	[tilespmem:s20], [sflag:$0x1] =	stream.indirect_vreg.gather [hbm4b:s5+s3], $0x80, v4, vm0, $0xb8;
	[tilespmem:$0x10200] =	vst v63  }
0x215: {  	s20 =	simm.s32 $0x1A00  }
0x216: {  	[tilespmem:s20], [sflag:$0x1] =	stream.indirect_vreg.gather [hbm4b:s6+s3], $0x80, v4, vm0, $0xb8;
	[tilespmem:$0x10200] =	vst v63  }
0x217: {  	s20 =	simm.s32 $0x2200  }
0x218: {  	[tilespmem:s20], [sflag:$0x1] =	stream.indirect_vreg.gather [hbm4b:s1+s3], $0x80, v3, vm0, $0xb8;
	[tilespmem:$0x10200] =	vst v63  }
0x219: {  	s28 =	simm.s32 $0x2A00  }
0x21a: {  	[tilespmem:s28], [sflag:$0x1] =	stream.indirect_vreg.gather [hbm4b:s4+s3], $0x80, v3, vm0, $0xb8;
	[tilespmem:$0x10200] =	vst v63  }
0x21b: {  	s21 =	simm.s32 $0x3200  }
0x21c: {  	[tilespmem:s21], [sflag:$0x1] =	stream.indirect_vreg.gather [hbm4b:s5+s3], $0x80, v3, vm0, $0xb8;
	[tilespmem:$0x10200] =	vst v63  }
0x21d: {  	s22 =	simm.s32 $0x3A00  }
0x21e: {  	[tilespmem:s22], [sflag:$0x1] =	stream.indirect_vreg.gather [hbm4b:s6+s3], $0x80, v3, vm0, $0xb8;
	[tilespmem:$0x10200] =	vst v63  }
0x21f: {  	v3 =	vld [tilespmem:$0x150];
	_ =	sdelay $0x4  }
0x220: {  	v53 =	vshll.u32 v3, $0x3  }
0x221: {  	v3 =	vand.u32 $0x7, v3;
	v4 =	vand.u32 $0xFFFFFFC0, v53  }
0x222: {  	v3 =	vor.u32 v3, v4  }
0x223: {  	v4 =	vperm.xlane v3, v0;
	_ =	sdelay $0x1  }
0x224: {  	v4 =	vadd.s32 v1, v4;
	_ =	sdelay $0x3  }
0x225: {  	s23 =	simm.s32 $0x4200  }
0x226: {  	[tilespmem:s23], [sflag:$0x1] =	stream.indirect_vreg.gather [hbm4b:s1+s3], $0x80, v4, vm0, $0xb8;
	[tilespmem:$0x10200] =	vst v63  }
0x227: {  	s24 =	simm.s32 $0x4A00;
	v3 =	vperm.xlane v3, v2  }
0x228: {  	[tilespmem:s24], [sflag:$0x1] =	stream.indirect_vreg.gather [hbm4b:s4+s3], $0x80, v4, vm0, $0xb8;
	[tilespmem:$0x10200] =	vst v63  }
0x229: {  	s20 =	simm.s32 $0x5200;
	v3 =	vadd.s32 v1, v3  }
0x22a: {  	[tilespmem:s20], [sflag:$0x1] =	stream.indirect_vreg.gather [hbm4b:s5+s3], $0x80, v4, vm0, $0xb8;
	[tilespmem:$0x10200] =	vst v63  }
0x22b: {  	s20 =	simm.s32 $0x5A00  }
0x22c: {  	[tilespmem:s20], [sflag:$0x1] =	stream.indirect_vreg.gather [hbm4b:s6+s3], $0x80, v4, vm0, $0xb8;
	[tilespmem:$0x10200] =	vst v63  }
0x22d: {  	s10 =	simm.s32 $0x6200  }
0x22e: {  	[tilespmem:s10], [sflag:$0x1] =	stream.indirect_vreg.gather [hbm4b:s1+s3], $0x80, v3, vm0, $0xb8;
	[tilespmem:$0x10200] =	vst v63  }
0x22f: {  	s7 =	simm.s32 $0x6A00  }
0x230: {  	[tilespmem:s7], [sflag:$0x1] =	stream.indirect_vreg.gather [hbm4b:s4+s3], $0x80, v3, vm0, $0xb8;
	[tilespmem:$0x10200] =	vst v63  }
0x231: {  	s11 =	simm.s32 $0x7200  }
0x232: {  	[tilespmem:s11], [sflag:$0x1] =	stream.indirect_vreg.gather [hbm4b:s5+s3], $0x80, v3, vm0, $0xb8;
	[tilespmem:$0x10200] =	vst v63  }
0x233: {  	s12 =	simm.s32 $0x7A00  }
0x234: {  	[tilespmem:s12], [sflag:$0x1] =	stream.indirect_vreg.gather [hbm4b:s6+s3], $0x80, v3, vm0, $0xb8;
	[tilespmem:$0x10200] =	vst v63  }
0x235: {  	_ =	swait.ge [sflag:s19], $0x8000  }
0x236: {  	[sflag:s19] =	ssyncset.done $0x0  }
0x237: {  	s20 =	rddreg [dreg:$0xe];
	[sflag:s19] =	ssyncadd.s32 $0xFFFF8000  }
0x238: {  	[hbm4b:s20+s3] =	stream.linear.scatter [tilespmem:s25], [sflag:$0x3], $0x8000, $0x38;
	[tilespmem:$0x10200] =	vst v63  }
0x239: {  	_ =	swait.ge [sflag:s8], $0x8000  }
0x23a: {  	[sflag:s8] =	ssyncset.done $0x0  }
0x23b: {  	[sflag:s8] =	ssyncadd.s32 $0xFFFF8000  }
0x23c: {  	v3 =	vld [tilespmem:$0x160];
	_ =	sdelay $0x4  }
0x23d: {  	v54 =	vshll.u32 v3, $0x3  }
0x23e: {  	v3 =	vand.u32 $0x7, v3;
	v4 =	vand.u32 $0xFFFFFFC0, v54  }
0x23f: {  	v3 =	vor.u32 v3, v4  }
0x240: {  	v4 =	vperm.xlane v3, v0;
	_ =	sdelay $0x1  }
0x241: {  	v4 =	vadd.s32 v1, v4;
	_ =	sdelay $0x4  }
0x242: {  	[tilespmem:s25], [sflag:$0x2] =	stream.indirect_vreg.gather [hbm4b:s1+s3], $0x80, v4, vm0, $0xb8;
	[tilespmem:$0x10200] =	vst v63  }
0x243: {  	s20 =	simm.s32 $0x8A00;
	v3 =	vperm.xlane v3, v2  }
0x244: {  	[tilespmem:s20], [sflag:$0x2] =	stream.indirect_vreg.gather [hbm4b:s4+s3], $0x80, v4, vm0, $0xb8;
	[tilespmem:$0x10200] =	vst v63  }
0x245: {  	s0 =	simm.s32 $0x9200;
	v3 =	vadd.s32 v1, v3  }
0x246: {  	[tilespmem:s0], [sflag:$0x2] =	stream.indirect_vreg.gather [hbm4b:s5+s3], $0x80, v4, vm0, $0xb8;
	[tilespmem:$0x10200] =	vst v63  }
0x247: {  	s2 =	simm.s32 $0x9A00  }
0x248: {  	[tilespmem:s2], [sflag:$0x2] =	stream.indirect_vreg.gather [hbm4b:s6+s3], $0x80, v4, vm0, $0xb8;
	[tilespmem:$0x10200] =	vst v63  }
0x249: {  	s20 =	simm.s32 $0xA200  }
0x24a: {  	[tilespmem:s20], [sflag:$0x2] =	stream.indirect_vreg.gather [hbm4b:s1+s3], $0x80, v3, vm0, $0xb8;
	[tilespmem:$0x10200] =	vst v63  }
0x24b: {  	s14 =	simm.s32 $0xAA00  }
0x24c: {  	[tilespmem:s14], [sflag:$0x2] =	stream.indirect_vreg.gather [hbm4b:s4+s3], $0x80, v3, vm0, $0xb8;
	[tilespmem:$0x10200] =	vst v63  }
0x24d: {  	s29 =	simm.s32 $0xB200  }
0x24e: {  	[tilespmem:s29], [sflag:$0x2] =	stream.indirect_vreg.gather [hbm4b:s5+s3], $0x80, v3, vm0, $0xb8;
	[tilespmem:$0x10200] =	vst v63  }
0x24f: {  	s20 =	simm.s32 $0xBA00  }
0x250: {  	[tilespmem:s20], [sflag:$0x2] =	stream.indirect_vreg.gather [hbm4b:s6+s3], $0x80, v3, vm0, $0xb8;
	[tilespmem:$0x10200] =	vst v63  }
0x251: {  	v3 =	vld [tilespmem:$0x170];
	_ =	sdelay $0x4  }
0x252: {  	v55 =	vshll.u32 v3, $0x3  }
0x253: {  	v3 =	vand.u32 $0x7, v3;
	v4 =	vand.u32 $0xFFFFFFC0, v55  }
0x254: {  	v3 =	vor.u32 v3, v4  }
0x255: {  	v4 =	vperm.xlane v3, v0;
	_ =	sdelay $0x1  }
0x256: {  	v4 =	vadd.s32 v1, v4;
	_ =	sdelay $0x3  }
0x257: {  	s20 =	simm.s32 $0xC200  }
0x258: {  	[tilespmem:s20], [sflag:$0x2] =	stream.indirect_vreg.gather [hbm4b:s1+s3], $0x80, v4, vm0, $0xb8;
	[tilespmem:$0x10200] =	vst v63  }
0x259: {  	v3 =	vperm.xlane v3, v2;
	s20 =	simm.s32 $0xCA00  }
0x25a: {  	[tilespmem:s20], [sflag:$0x2] =	stream.indirect_vreg.gather [hbm4b:s4+s3], $0x80, v4, vm0, $0xb8;
	[tilespmem:$0x10200] =	vst v63  }
0x25b: {  	s15 =	simm.s32 $0xD200;
	v3 =	vadd.s32 v1, v3  }
0x25c: {  	[tilespmem:s15], [sflag:$0x2] =	stream.indirect_vreg.gather [hbm4b:s5+s3], $0x80, v4, vm0, $0xb8;
	[tilespmem:$0x10200] =	vst v63  }
0x25d: {  	s17 =	simm.s32 $0xDA00  }
0x25e: {  	[tilespmem:s17], [sflag:$0x2] =	stream.indirect_vreg.gather [hbm4b:s6+s3], $0x80, v4, vm0, $0xb8;
	[tilespmem:$0x10200] =	vst v63  }
0x25f: {  	s16 =	simm.s32 $0xE200  }
0x260: {  	[tilespmem:s16], [sflag:$0x2] =	stream.indirect_vreg.gather [hbm4b:s1+s3], $0x80, v3, vm0, $0xb8;
	[tilespmem:$0x10200] =	vst v63  }
0x261: {  	s31 =	simm.s32 $0xEA00  }
0x262: {  	[tilespmem:s31], [sflag:$0x2] =	stream.indirect_vreg.gather [hbm4b:s4+s3], $0x80, v3, vm0, $0xb8;
	[tilespmem:$0x10200] =	vst v63  }
0x263: {  	s30 =	simm.s32 $0xF200  }
0x264: {  	[tilespmem:s30], [sflag:$0x2] =	stream.indirect_vreg.gather [hbm4b:s5+s3], $0x80, v3, vm0, $0xb8;
	[tilespmem:$0x10200] =	vst v63  }
0x265: {  	s13 =	simm.s32 $0xFA00  }
0x266: {  	[tilespmem:s13], [sflag:$0x2] =	stream.indirect_vreg.gather [hbm4b:s6+s3], $0x80, v3, vm0, $0xb8;
	[tilespmem:$0x10200] =	vst v63  }
0x267: {  	_ =	swait.ge [sflag:s18], $0x8000  }
0x268: {  	[sflag:s18] =	ssyncset.done $0x0  }
0x269: {  	s13 =	rddreg [dreg:$0xf];
	[sflag:s18] =	ssyncadd.s32 $0xFFFF8000  }
0x26a: {  	[hbm4b:s13+s3] =	stream.linear.scatter [tilespmem:s9], [sflag:$0x3], $0x8000, $0x38;
	[tilespmem:$0x10200] =	vst v63  }
0x26b: {  	_ =	swait.ge [sflag:s8], $0x8000  }
0x26c: {  	[sflag:s8] =	ssyncset.done $0x0  }
0x26d: {  	[sflag:s8] =	ssyncadd.s32 $0xFFFF8000  }
0x26e: {  	v3 =	vld [tilespmem:$0x180];
	_ =	sdelay $0x4  }
0x26f: {  	v56 =	vshll.u32 v3, $0x3  }
0x270: {  	v3 =	vand.u32 $0x7, v3;
	v4 =	vand.u32 $0xFFFFFFC0, v56  }
0x271: {  	v3 =	vor.u32 v3, v4  }
0x272: {  	v4 =	vperm.xlane v3, v0;
	_ =	sdelay $0x1  }
0x273: {  	v4 =	vadd.s32 v1, v4;
	_ =	sdelay $0x4  }
0x274: {  	[tilespmem:s9], [sflag:$0x1] =	stream.indirect_vreg.gather [hbm4b:s1+s3], $0x80, v4, vm0, $0xb8;
	[tilespmem:$0x10200] =	vst v63  }
0x275: {  	s20 =	simm.s32 $0xA00;
	v3 =	vperm.xlane v3, v2  }
0x276: {  	[tilespmem:s20], [sflag:$0x1] =	stream.indirect_vreg.gather [hbm4b:s4+s3], $0x80, v4, vm0, $0xb8;
	[tilespmem:$0x10200] =	vst v63  }
0x277: {  	s31 =	simm.s32 $0x1200;
	v3 =	vadd.s32 v1, v3  }
0x278: {  	[tilespmem:s31], [sflag:$0x1] =	stream.indirect_vreg.gather [hbm4b:s5+s3], $0x80, v4, vm0, $0xb8;
	[tilespmem:$0x10200] =	vst v63  }
0x279: {  	s20 =	simm.s32 $0x1A00  }
0x27a: {  	[tilespmem:s20], [sflag:$0x1] =	stream.indirect_vreg.gather [hbm4b:s6+s3], $0x80, v4, vm0, $0xb8;
	[tilespmem:$0x10200] =	vst v63  }
0x27b: {  	s31 =	simm.s32 $0x2200  }
0x27c: {  	[tilespmem:s31], [sflag:$0x1] =	stream.indirect_vreg.gather [hbm4b:s1+s3], $0x80, v3, vm0, $0xb8;
	[tilespmem:$0x10200] =	vst v63  }
0x27d: {  	s28 =	simm.s32 $0x2A00  }
0x27e: {  	[tilespmem:s28], [sflag:$0x1] =	stream.indirect_vreg.gather [hbm4b:s4+s3], $0x80, v3, vm0, $0xb8;
	[tilespmem:$0x10200] =	vst v63  }
0x27f: {  	s21 =	simm.s32 $0x3200  }
0x280: {  	[tilespmem:s21], [sflag:$0x1] =	stream.indirect_vreg.gather [hbm4b:s5+s3], $0x80, v3, vm0, $0xb8;
	[tilespmem:$0x10200] =	vst v63  }
0x281: {  	s22 =	simm.s32 $0x3A00  }
0x282: {  	[tilespmem:s22], [sflag:$0x1] =	stream.indirect_vreg.gather [hbm4b:s6+s3], $0x80, v3, vm0, $0xb8;
	[tilespmem:$0x10200] =	vst v63  }
0x283: {  	v3 =	vld [tilespmem:$0x190];
	_ =	sdelay $0x4  }
0x284: {  	v57 =	vshll.u32 v3, $0x3  }
0x285: {  	v3 =	vand.u32 $0x7, v3;
	v4 =	vand.u32 $0xFFFFFFC0, v57  }
0x286: {  	v3 =	vor.u32 v3, v4  }
0x287: {  	v4 =	vperm.xlane v3, v0;
	_ =	sdelay $0x1  }
0x288: {  	v4 =	vadd.s32 v1, v4;
	_ =	sdelay $0x3  }
0x289: {  	s23 =	simm.s32 $0x4200  }
0x28a: {  	[tilespmem:s23], [sflag:$0x1] =	stream.indirect_vreg.gather [hbm4b:s1+s3], $0x80, v4, vm0, $0xb8;
	[tilespmem:$0x10200] =	vst v63  }
0x28b: {  	s24 =	simm.s32 $0x4A00;
	v3 =	vperm.xlane v3, v2  }
0x28c: {  	[tilespmem:s24], [sflag:$0x1] =	stream.indirect_vreg.gather [hbm4b:s4+s3], $0x80, v4, vm0, $0xb8;
	[tilespmem:$0x10200] =	vst v63  }
0x28d: {  	s20 =	simm.s32 $0x5200;
	v3 =	vadd.s32 v1, v3  }
0x28e: {  	[tilespmem:s20], [sflag:$0x1] =	stream.indirect_vreg.gather [hbm4b:s5+s3], $0x80, v4, vm0, $0xb8;
	[tilespmem:$0x10200] =	vst v63  }
0x28f: {  	s24 =	simm.s32 $0x5A00  }
0x290: {  	[tilespmem:s24], [sflag:$0x1] =	stream.indirect_vreg.gather [hbm4b:s6+s3], $0x80, v4, vm0, $0xb8;
	[tilespmem:$0x10200] =	vst v63  }
0x291: {  	s10 =	simm.s32 $0x6200  }
0x292: {  	[tilespmem:s10], [sflag:$0x1] =	stream.indirect_vreg.gather [hbm4b:s1+s3], $0x80, v3, vm0, $0xb8;
	[tilespmem:$0x10200] =	vst v63  }
0x293: {  	s7 =	simm.s32 $0x6A00  }
0x294: {  	[tilespmem:s7], [sflag:$0x1] =	stream.indirect_vreg.gather [hbm4b:s4+s3], $0x80, v3, vm0, $0xb8;
	[tilespmem:$0x10200] =	vst v63  }
0x295: {  	s11 =	simm.s32 $0x7200  }
0x296: {  	[tilespmem:s11], [sflag:$0x1] =	stream.indirect_vreg.gather [hbm4b:s5+s3], $0x80, v3, vm0, $0xb8;
	[tilespmem:$0x10200] =	vst v63  }
0x297: {  	s12 =	simm.s32 $0x7A00  }
0x298: {  	[tilespmem:s12], [sflag:$0x1] =	stream.indirect_vreg.gather [hbm4b:s6+s3], $0x80, v3, vm0, $0xb8;
	[tilespmem:$0x10200] =	vst v63  }
0x299: {  	_ =	swait.ge [sflag:s19], $0x8000  }
0x29a: {  	[sflag:s19] =	ssyncset.done $0x0  }
0x29b: {  	s12 =	rddreg [dreg:$0x10];
	[sflag:s19] =	ssyncadd.s32 $0xFFFF8000  }
0x29c: {  	[hbm4b:s12+s3] =	stream.linear.scatter [tilespmem:s25], [sflag:$0x3], $0x8000, $0x38;
	[tilespmem:$0x10200] =	vst v63  }
0x29d: {  	_ =	swait.ge [sflag:s8], $0x8000  }
0x29e: {  	[sflag:s8] =	ssyncset.done $0x0  }
0x29f: {  	[sflag:s8] =	ssyncadd.s32 $0xFFFF8000  }
0x2a0: {  	v3 =	vld [tilespmem:$0x1A0];
	_ =	sdelay $0x4  }
0x2a1: {  	v58 =	vshll.u32 v3, $0x3  }
0x2a2: {  	v3 =	vand.u32 $0x7, v3;
	v4 =	vand.u32 $0xFFFFFFC0, v58  }
0x2a3: {  	v3 =	vor.u32 v3, v4  }
0x2a4: {  	v4 =	vperm.xlane v3, v0;
	_ =	sdelay $0x1  }
0x2a5: {  	v4 =	vadd.s32 v1, v4;
	_ =	sdelay $0x4  }
0x2a6: {  	[tilespmem:s25], [sflag:$0x2] =	stream.indirect_vreg.gather [hbm4b:s1+s3], $0x80, v4, vm0, $0xb8;
	[tilespmem:$0x10200] =	vst v63  }
0x2a7: {  	s20 =	simm.s32 $0x8A00;
	v3 =	vperm.xlane v3, v2  }
0x2a8: {  	[tilespmem:s20], [sflag:$0x2] =	stream.indirect_vreg.gather [hbm4b:s4+s3], $0x80, v4, vm0, $0xb8;
	[tilespmem:$0x10200] =	vst v63  }
0x2a9: {  	s0 =	simm.s32 $0x9200;
	v3 =	vadd.s32 v1, v3  }
0x2aa: {  	[tilespmem:s0], [sflag:$0x2] =	stream.indirect_vreg.gather [hbm4b:s5+s3], $0x80, v4, vm0, $0xb8;
	[tilespmem:$0x10200] =	vst v63  }
0x2ab: {  	s2 =	simm.s32 $0x9A00  }
0x2ac: {  	[tilespmem:s2], [sflag:$0x2] =	stream.indirect_vreg.gather [hbm4b:s6+s3], $0x80, v4, vm0, $0xb8;
	[tilespmem:$0x10200] =	vst v63  }
0x2ad: {  	s24 =	simm.s32 $0xA200  }
0x2ae: {  	[tilespmem:s24], [sflag:$0x2] =	stream.indirect_vreg.gather [hbm4b:s1+s3], $0x80, v3, vm0, $0xb8;
	[tilespmem:$0x10200] =	vst v63  }
0x2af: {  	s14 =	simm.s32 $0xAA00  }
0x2b0: {  	[tilespmem:s14], [sflag:$0x2] =	stream.indirect_vreg.gather [hbm4b:s4+s3], $0x80, v3, vm0, $0xb8;
	[tilespmem:$0x10200] =	vst v63  }
0x2b1: {  	s29 =	simm.s32 $0xB200  }
0x2b2: {  	[tilespmem:s29], [sflag:$0x2] =	stream.indirect_vreg.gather [hbm4b:s5+s3], $0x80, v3, vm0, $0xb8;
	[tilespmem:$0x10200] =	vst v63  }
0x2b3: {  	s29 =	simm.s32 $0xBA00  }
0x2b4: {  	[tilespmem:s29], [sflag:$0x2] =	stream.indirect_vreg.gather [hbm4b:s6+s3], $0x80, v3, vm0, $0xb8;
	[tilespmem:$0x10200] =	vst v63  }
0x2b5: {  	v3 =	vld [tilespmem:$0x1B0];
	_ =	sdelay $0x4  }
0x2b6: {  	v59 =	vshll.u32 v3, $0x3  }
0x2b7: {  	v3 =	vand.u32 $0x7, v3;
	v4 =	vand.u32 $0xFFFFFFC0, v59  }
0x2b8: {  	v3 =	vor.u32 v3, v4  }
0x2b9: {  	v4 =	vperm.xlane v3, v0;
	_ =	sdelay $0x1  }
0x2ba: {  	v4 =	vadd.s32 v1, v4;
	_ =	sdelay $0x3  }
0x2bb: {  	s24 =	simm.s32 $0xC200  }
0x2bc: {  	[tilespmem:s24], [sflag:$0x2] =	stream.indirect_vreg.gather [hbm4b:s1+s3], $0x80, v4, vm0, $0xb8;
	[tilespmem:$0x10200] =	vst v63  }
0x2bd: {  	s29 =	simm.s32 $0xCA00;
	v3 =	vperm.xlane v3, v2  }
0x2be: {  	[tilespmem:s29], [sflag:$0x2] =	stream.indirect_vreg.gather [hbm4b:s4+s3], $0x80, v4, vm0, $0xb8;
	[tilespmem:$0x10200] =	vst v63  }
0x2bf: {  	s15 =	simm.s32 $0xD200;
	v3 =	vadd.s32 v1, v3  }
0x2c0: {  	[tilespmem:s15], [sflag:$0x2] =	stream.indirect_vreg.gather [hbm4b:s5+s3], $0x80, v4, vm0, $0xb8;
	[tilespmem:$0x10200] =	vst v63  }
0x2c1: {  	s17 =	simm.s32 $0xDA00  }
0x2c2: {  	[tilespmem:s17], [sflag:$0x2] =	stream.indirect_vreg.gather [hbm4b:s6+s3], $0x80, v4, vm0, $0xb8;
	[tilespmem:$0x10200] =	vst v63  }
0x2c3: {  	s16 =	simm.s32 $0xE200  }
0x2c4: {  	[tilespmem:s16], [sflag:$0x2] =	stream.indirect_vreg.gather [hbm4b:s1+s3], $0x80, v3, vm0, $0xb8;
	[tilespmem:$0x10200] =	vst v63  }
0x2c5: {  	s20 =	simm.s32 $0xEA00  }
0x2c6: {  	[tilespmem:s20], [sflag:$0x2] =	stream.indirect_vreg.gather [hbm4b:s4+s3], $0x80, v3, vm0, $0xb8;
	[tilespmem:$0x10200] =	vst v63  }
0x2c7: {  	s30 =	simm.s32 $0xF200  }
0x2c8: {  	[tilespmem:s30], [sflag:$0x2] =	stream.indirect_vreg.gather [hbm4b:s5+s3], $0x80, v3, vm0, $0xb8;
	[tilespmem:$0x10200] =	vst v63  }
0x2c9: {  	s30 =	simm.s32 $0xFA00  }
0x2ca: {  	[tilespmem:s30], [sflag:$0x2] =	stream.indirect_vreg.gather [hbm4b:s6+s3], $0x80, v3, vm0, $0xb8;
	[tilespmem:$0x10200] =	vst v63  }
0x2cb: {  	_ =	swait.ge [sflag:s18], $0x8000  }
0x2cc: {  	[sflag:s18] =	ssyncset.done $0x0  }
0x2cd: {  	s20 =	rddreg [dreg:$0x11];
	[sflag:s18] =	ssyncadd.s32 $0xFFFF8000  }
0x2ce: {  	[hbm4b:s20+s3] =	stream.linear.scatter [tilespmem:s9], [sflag:$0x3], $0x8000, $0x38;
	[tilespmem:$0x10200] =	vst v63  }
0x2cf: {  	_ =	swait.ge [sflag:s8], $0x8000  }
0x2d0: {  	[sflag:s8] =	ssyncset.done $0x0  }
0x2d1: {  	[sflag:s8] =	ssyncadd.s32 $0xFFFF8000  }
0x2d2: {  	v3 =	vld [tilespmem:$0x1C0];
	_ =	sdelay $0x4  }
0x2d3: {  	v60 =	vshll.u32 v3, $0x3  }
0x2d4: {  	v3 =	vand.u32 $0x7, v3;
	v4 =	vand.u32 $0xFFFFFFC0, v60  }
0x2d5: {  	v3 =	vor.u32 v3, v4  }
0x2d6: {  	v4 =	vperm.xlane v3, v0;
	_ =	sdelay $0x1  }
0x2d7: {  	v4 =	vadd.s32 v1, v4;
	_ =	sdelay $0x4  }
0x2d8: {  	[tilespmem:s9], [sflag:$0x1] =	stream.indirect_vreg.gather [hbm4b:s1+s3], $0x80, v4, vm0, $0xb8;
	[tilespmem:$0x10200] =	vst v63  }
0x2d9: {  	s20 =	simm.s32 $0xA00;
	v3 =	vperm.xlane v3, v2  }
0x2da: {  	[tilespmem:s20], [sflag:$0x1] =	stream.indirect_vreg.gather [hbm4b:s4+s3], $0x80, v4, vm0, $0xb8;
	[tilespmem:$0x10200] =	vst v63  }
0x2db: {  	v3 =	vadd.s32 v1, v3;
	s20 =	simm.s32 $0x1200  }
0x2dc: {  	[tilespmem:s20], [sflag:$0x1] =	stream.indirect_vreg.gather [hbm4b:s5+s3], $0x80, v4, vm0, $0xb8;
	[tilespmem:$0x10200] =	vst v63  }
0x2dd: {  	s20 =	simm.s32 $0x1A00  }
0x2de: {  	[tilespmem:s20], [sflag:$0x1] =	stream.indirect_vreg.gather [hbm4b:s6+s3], $0x80, v4, vm0, $0xb8;
	[tilespmem:$0x10200] =	vst v63  }
0x2df: {  	s20 =	simm.s32 $0x2200  }
0x2e0: {  	[tilespmem:s20], [sflag:$0x1] =	stream.indirect_vreg.gather [hbm4b:s1+s3], $0x80, v3, vm0, $0xb8;
	[tilespmem:$0x10200] =	vst v63  }
0x2e1: {  	s31 =	simm.s32 $0x2A00  }
0x2e2: {  	[tilespmem:s31], [sflag:$0x1] =	stream.indirect_vreg.gather [hbm4b:s4+s3], $0x80, v3, vm0, $0xb8;
	[tilespmem:$0x10200] =	vst v63  }
0x2e3: {  	s28 =	simm.s32 $0x3200  }
0x2e4: {  	[tilespmem:s28], [sflag:$0x1] =	stream.indirect_vreg.gather [hbm4b:s5+s3], $0x80, v3, vm0, $0xb8;
	[tilespmem:$0x10200] =	vst v63  }
0x2e5: {  	s21 =	simm.s32 $0x3A00  }
0x2e6: {  	[tilespmem:s21], [sflag:$0x1] =	stream.indirect_vreg.gather [hbm4b:s6+s3], $0x80, v3, vm0, $0xb8;
	[tilespmem:$0x10200] =	vst v63  }
0x2e7: {  	v3 =	vld [tilespmem:$0x1D0];
	_ =	sdelay $0x4  }
0x2e8: {  	v61 =	vshll.u32 v3, $0x3  }
0x2e9: {  	v3 =	vand.u32 $0x7, v3;
	v4 =	vand.u32 $0xFFFFFFC0, v61  }
0x2ea: {  	v3 =	vor.u32 v3, v4  }
0x2eb: {  	v4 =	vperm.xlane v3, v0;
	_ =	sdelay $0x1  }
0x2ec: {  	v4 =	vadd.s32 v1, v4;
	_ =	sdelay $0x3  }
0x2ed: {  	s22 =	simm.s32 $0x4200  }
0x2ee: {  	[tilespmem:s22], [sflag:$0x1] =	stream.indirect_vreg.gather [hbm4b:s1+s3], $0x80, v4, vm0, $0xb8;
	[tilespmem:$0x10200] =	vst v63  }
0x2ef: {  	s23 =	simm.s32 $0x4A00;
	v3 =	vperm.xlane v3, v2  }
0x2f0: {  	[tilespmem:s23], [sflag:$0x1] =	stream.indirect_vreg.gather [hbm4b:s4+s3], $0x80, v4, vm0, $0xb8;
	[tilespmem:$0x10200] =	vst v63  }
0x2f1: {  	s28 =	simm.s32 $0x5200;
	v3 =	vadd.s32 v1, v3  }
0x2f2: {  	[tilespmem:s28], [sflag:$0x1] =	stream.indirect_vreg.gather [hbm4b:s5+s3], $0x80, v4, vm0, $0xb8;
	[tilespmem:$0x10200] =	vst v63  }
0x2f3: {  	s31 =	simm.s32 $0x5A00  }
0x2f4: {  	[tilespmem:s31], [sflag:$0x1] =	stream.indirect_vreg.gather [hbm4b:s6+s3], $0x80, v4, vm0, $0xb8;
	[tilespmem:$0x10200] =	vst v63  }
0x2f5: {  	s13 =	simm.s32 $0x6200  }
0x2f6: {  	[tilespmem:s13], [sflag:$0x1] =	stream.indirect_vreg.gather [hbm4b:s1+s3], $0x80, v3, vm0, $0xb8;
	[tilespmem:$0x10200] =	vst v63  }
0x2f7: {  	s10 =	simm.s32 $0x6A00  }
0x2f8: {  	[tilespmem:s10], [sflag:$0x1] =	stream.indirect_vreg.gather [hbm4b:s4+s3], $0x80, v3, vm0, $0xb8;
	[tilespmem:$0x10200] =	vst v63  }
0x2f9: {  	s7 =	simm.s32 $0x7200  }
0x2fa: {  	[tilespmem:s7], [sflag:$0x1] =	stream.indirect_vreg.gather [hbm4b:s5+s3], $0x80, v3, vm0, $0xb8;
	[tilespmem:$0x10200] =	vst v63  }
0x2fb: {  	s11 =	simm.s32 $0x7A00  }
0x2fc: {  	[tilespmem:s11], [sflag:$0x1] =	stream.indirect_vreg.gather [hbm4b:s6+s3], $0x80, v3, vm0, $0xb8;
	[tilespmem:$0x10200] =	vst v63  }
0x2fd: {  	_ =	swait.ge [sflag:s19], $0x8000  }
0x2fe: {  	[sflag:s19] =	ssyncset.done $0x0  }
0x2ff: {  	s13 =	rddreg [dreg:$0x12];
	[sflag:s19] =	ssyncadd.s32 $0xFFFF8000  }
0x300: {  	[hbm4b:s13+s3] =	stream.linear.scatter [tilespmem:s25], [sflag:$0x3], $0x8000, $0x38;
	[tilespmem:$0x10200] =	vst v63  }
0x301: {  	_ =	swait.ge [sflag:s8], $0x8000  }
0x302: {  	[sflag:s8] =	ssyncset.done $0x0  }
0x303: {  	[sflag:s8] =	ssyncadd.s32 $0xFFFF8000  }
0x304: {  	v3 =	vld [tilespmem:$0x1E0];
	_ =	sdelay $0x4  }
0x305: {  	v62 =	vshll.u32 v3, $0x3  }
0x306: {  	v3 =	vand.u32 $0x7, v3;
	v4 =	vand.u32 $0xFFFFFFC0, v62  }
0x307: {  	v3 =	vor.u32 v3, v4  }
0x308: {  	v4 =	vperm.xlane v3, v0;
	_ =	sdelay $0x1  }
0x309: {  	v4 =	vadd.s32 v1, v4;
	_ =	sdelay $0x4  }
0x30a: {  	[tilespmem:s25], [sflag:$0x2] =	stream.indirect_vreg.gather [hbm4b:s1+s3], $0x80, v4, vm0, $0xb8;
	[tilespmem:$0x10200] =	vst v63  }
0x30b: {  	s20 =	simm.s32 $0x8A00;
	v3 =	vperm.xlane v3, v2  }
0x30c: {  	[tilespmem:s20], [sflag:$0x2] =	stream.indirect_vreg.gather [hbm4b:s4+s3], $0x80, v4, vm0, $0xb8;
	[tilespmem:$0x10200] =	vst v63  }
0x30d: {  	s12 =	simm.s32 $0x9200;
	v3 =	vadd.s32 v1, v3  }
0x30e: {  	[tilespmem:s12], [sflag:$0x2] =	stream.indirect_vreg.gather [hbm4b:s5+s3], $0x80, v4, vm0, $0xb8;
	[tilespmem:$0x10200] =	vst v63  }
0x30f: {  	s0 =	simm.s32 $0x9A00  }
0x310: {  	[tilespmem:s0], [sflag:$0x2] =	stream.indirect_vreg.gather [hbm4b:s6+s3], $0x80, v4, vm0, $0xb8;
	[tilespmem:$0x10200] =	vst v63  }
0x311: {  	s21 =	simm.s32 $0xA200  }
0x312: {  	[tilespmem:s21], [sflag:$0x2] =	stream.indirect_vreg.gather [hbm4b:s1+s3], $0x80, v3, vm0, $0xb8;
	[tilespmem:$0x10200] =	vst v63  }
0x313: {  	s2 =	simm.s32 $0xAA00  }
0x314: {  	[tilespmem:s2], [sflag:$0x2] =	stream.indirect_vreg.gather [hbm4b:s4+s3], $0x80, v3, vm0, $0xb8;
	[tilespmem:$0x10200] =	vst v63  }
0x315: {  	s14 =	simm.s32 $0xB200  }
0x316: {  	[tilespmem:s14], [sflag:$0x2] =	stream.indirect_vreg.gather [hbm4b:s5+s3], $0x80, v3, vm0, $0xb8;
	[tilespmem:$0x10200] =	vst v63  }
0x317: {  	s22 =	simm.s32 $0xBA00  }
0x318: {  	[tilespmem:s22], [sflag:$0x2] =	stream.indirect_vreg.gather [hbm4b:s6+s3], $0x80, v3, vm0, $0xb8;
	[tilespmem:$0x10200] =	vst v63  }
0x319: {  	v3 =	vld [tilespmem:$0x1F0];
	_ =	sdelay $0x4  }
0x31a: {  	v63 =	vshll.u32 v3, $0x3  }
0x31b: {  	v3 =	vand.u32 $0x7, v3;
	v4 =	vand.u32 $0xFFFFFFC0, v63  }
0x31c: {  	v3 =	vor.u32 v3, v4  }
0x31d: {  	v4 =	vperm.xlane v3, v0;
	_ =	sdelay $0x1  }
0x31e: {  	v4 =	vadd.s32 v1, v4;
	_ =	sdelay $0x3  }
0x31f: {  	s23 =	simm.s32 $0xC200  }
0x320: {  	[tilespmem:s23], [sflag:$0x2] =	stream.indirect_vreg.gather [hbm4b:s1+s3], $0x80, v4, vm0, $0xb8;
	[tilespmem:$0x10200] =	vst v63  }
0x321: {  	s28 =	simm.s32 $0xCA00;
	v3 =	vperm.xlane v3, v2  }
0x322: {  	[tilespmem:s28], [sflag:$0x2] =	stream.indirect_vreg.gather [hbm4b:s4+s3], $0x80, v4, vm0, $0xb8;
	[tilespmem:$0x10200] =	vst v63  }
0x323: {  	s24 =	simm.s32 $0xD200;
	v3 =	vadd.s32 v1, v3  }
0x324: {  	[tilespmem:s24], [sflag:$0x2] =	stream.indirect_vreg.gather [hbm4b:s5+s3], $0x80, v4, vm0, $0xb8;
	[tilespmem:$0x10200] =	vst v63  }
0x325: {  	s29 =	simm.s32 $0xDA00  }
0x326: {  	[tilespmem:s29], [sflag:$0x2] =	stream.indirect_vreg.gather [hbm4b:s6+s3], $0x80, v4, vm0, $0xb8;
	[tilespmem:$0x10200] =	vst v63  }
0x327: {  	s15 =	simm.s32 $0xE200  }
0x328: {  	[tilespmem:s15], [sflag:$0x2] =	stream.indirect_vreg.gather [hbm4b:s1+s3], $0x80, v3, vm0, $0xb8;
	[tilespmem:$0x10200] =	vst v63  }
0x329: {  	s17 =	simm.s32 $0xEA00  }
0x32a: {  	[tilespmem:s17], [sflag:$0x2] =	stream.indirect_vreg.gather [hbm4b:s4+s3], $0x80, v3, vm0, $0xb8;
	[tilespmem:$0x10200] =	vst v63  }
0x32b: {  	s16 =	simm.s32 $0xF200  }
0x32c: {  	[tilespmem:s16], [sflag:$0x2] =	stream.indirect_vreg.gather [hbm4b:s5+s3], $0x80, v3, vm0, $0xb8;
	[tilespmem:$0x10200] =	vst v63  }
0x32d: {  	s30 =	simm.s32 $0xFA00  }
0x32e: {  	[tilespmem:s30], [sflag:$0x2] =	stream.indirect_vreg.gather [hbm4b:s6+s3], $0x80, v3, vm0, $0xb8;
	[tilespmem:$0x10200] =	vst v63  }
0x32f: {  	_ =	swait.ge [sflag:s18], $0x8000  }
0x330: {  	[sflag:s18] =	ssyncset.done $0x0  }
0x331: {  	s30 =	rddreg [dreg:$0x13];
	[sflag:s18] =	ssyncadd.s32 $0xFFFF8000  }
0x332: {  	[hbm4b:s30+s3] =	stream.linear.scatter [tilespmem:s9], [sflag:$0x3], $0x8000, $0x38;
	[tilespmem:$0x10200] =	vst v63  }
0x333: {  	_ =	swait.ge [sflag:s8], $0x8000  }
0x334: {  	[sflag:s8] =	ssyncset.done $0x0  }
0x335: {  	[sflag:s8] =	ssyncadd.s32 $0xFFFF8000  }
0x336: {  	_ =	swait.ge [sflag:s19], $0x8000  }
0x337: {  	p0 =	sne.s32 s26, $0x1;
	[sflag:s19] =	ssyncset.done $0x0  }
.Ltmp0:
0x338: {  	s31 =	rddreg [dreg:$0x14];
	[sflag:s19] =	ssyncadd.s32 $0xFFFF8000;
	(pc) =	sbr.rel @p0 .LBB2_1-.Ltmp0, $4  }
0x339: {  	[hbm4b:s31+s3] =	stream.linear.scatter [tilespmem:s25], [sflag:$0x3], $0x8000, $0x38;
	[tilespmem:$0x10200] =	vst v63  }
0x33a: {  	_ =	swait.ge [sflag:s8], $0x8000  }
0x33b: {  	[sflag:s8] =	ssyncset.done $0x0  }
0x33c: {  	s26 =	sadd.s32 $0xFFFFFFFF, s26;
	[sflag:s8] =	ssyncadd.s32 $0xFFFF8000  }
0x33d: {  	_ =	sfence.sel $0x180000  }
0x33e: {  	[bflag:$0x0] =	sbarrier.arrive $0xFFFF  }
0x33f: {  	_ =	strace $0x90000047  }
0x340: {  	s0 =	stileid.u32;
	[bflag:$0x2] =	sbarrier.arrive $0xFFFF  }
0x341: {  	p0 =	sne.s32 s0, $0x0;
	s0 =	rddreg [dreg:$0x3]  }
0x342: {  	s0 =	sadd.s32 @!p0 $0x100000, s0  }
0x343: {  	[sflag:s0] =	ssyncadd.tile.s32 @!p0 $0x1;
	_ =	shalt  }
.Lfunc_end2:
_tile_overlayer_lowered:
.L_overlay_start_2:
0x344: {  	(tag) =	ssettag $0x2  }
0x345: {  	s0 =	rddreg [dreg:$0x0];
	s2 =	stileid.u32  }
0x346: {  	s1 =	rddreg [dreg:$0x1];
	p0 =	sne.s32 s2, $0x0  }
0x347: {  	s3 =	rddreg [dreg:$0x2];
	[bflag:$0x3] =	sbarrier.arrive $0xFFFF;
	s2 =	simm.s32 @!p0 $0x1C03  }
0x348: {  	[timem:s3], [sflag:s2] =	dma.local @!p0 [hbm:s0], s1  }
0x349: {  	s0 =	simm.s32 @!p0 $0x3  }
0x34a: {  	_ =	swait.ge @!p0 [sflag:s0], s1  }
0x34b: {  	s1 =	ssub.s32 @!p0 $0x0, s1;
	[sflag:s0] =	ssyncset.done @!p0 $0x0  }
0x34c: {  	[sflag:s0] =	ssyncadd.s32 @!p0 s1  }
0x34d: {  	[bflag:$0x3] =	sbarrier.arrive $0xFFFF  }
0x34e: {  	_ =	shalt  }

</sc_bundles>
